<compile_context>
chip_gen: v7x
topology: tpu7x:2x2x1
jax: 0.10.2.dev20260603
libtpu: 0.0.44.dev20260713+nightly
codegen_flags: <defaults>
</compile_context>

<pallas_src>
import functools

import numpy as np

import jax
import jax.numpy as jnp
from jax import lax
from jax.experimental import pallas as pl
from jax.experimental.pallas import tpu as pltpu
from jax.experimental.pallas import tpu_sc as plsc

_N = 10000
_D = 128
_E = 320000
_NP = 10240
_EP = 327680
_NC = 2
_NS = 16
_NW = _NC * _NS
_K = 128
_CH = _EP // (_NW * _K)
_RPS = _NP // _NS

_PAD_IDX = np.asarray(_N + np.arange(_EP - _E) % (_NP - _N), np.int32)

def _deg_body(src_hbm, dst_hbm, one_src_hbm, one_dst_hbm, z8_hbm, deg_hbm,
              src_v, dst_v, one_src_v, one_dst_v, zb_v, deg_sh,
              sem_a, sem_b):
    c = lax.axis_index("c")
    s = lax.axis_index("s")
    wid = s * _NC + c
    base = s * _RPS

    pltpu.sync_copy(one_src_hbm, one_src_v)
    pltpu.sync_copy(one_dst_hbm, one_dst_v)
    pltpu.sync_copy(z8_hbm, zb_v)
    pltpu.sync_copy(zb_v, deg_sh.at[pl.ds(base, _RPS)])
    plsc.subcore_barrier()

    pltpu.sync_copy(src_hbm.at[wid], src_v)
    pltpu.sync_copy(dst_hbm.at[wid], dst_v)

    @pl.loop(0, _CH)
    def _(j):
        pltpu.async_copy(one_src_v, deg_sh.at[src_v.at[j]], sem_a, add=True)
        pltpu.async_copy(one_dst_v, deg_sh.at[dst_v.at[j]], sem_b, add=True)

    @pl.loop(0, _CH)
    def _(j):
        pltpu.make_async_copy(one_src_v, deg_sh.at[pl.ds(0, _K)], sem_a).wait()
        pltpu.make_async_copy(one_dst_v, deg_sh.at[pl.ds(0, _K)], sem_b).wait()

    plsc.subcore_barrier()
    pltpu.sync_copy(deg_sh.at[pl.ds(base, _RPS)],
                    deg_hbm.at[c, pl.ds(base, _RPS)])


def _scatter_body(h_hbm, src_hbm, dst_hbm, z_hbm, out_hbm,
                  src_v, dst_v, rows_a, rows_b, agg_sh, sem_a, sem_b):
    c = lax.axis_index("c")
    s = lax.axis_index("s")
    wid = s * _NC + c
    base = s * _RPS
    hch = _CH // 2

    def _issue(j, buf, sem):
        pltpu.async_copy(h_hbm.at[src_v.at[j]], buf, sem)

    def _drain(buf, sem):
        pltpu.make_async_copy(h_hbm.at[pl.ds(0, _K)], buf, sem).wait()

    pltpu.sync_copy(src_hbm.at[wid, pl.ds(0, hch)], src_v)
    _issue(0, rows_a, sem_a)
    pltpu.sync_copy(dst_hbm.at[wid, pl.ds(0, hch)], dst_v)

    pltpu.sync_copy(z_hbm, rows_b)

    @pl.loop(0, _RPS // _K)
    def _(t):
        pltpu.sync_copy(rows_b, agg_sh.at[pl.ds(base + t * _K, _K)])
    plsc.subcore_barrier()

    @pl.loop(0, 2)
    def _(p):
        @pl.when(p > 0)
        def _():
            pltpu.sync_copy(src_hbm.at[wid, pl.ds(p * hch, hch)], src_v)
            pltpu.sync_copy(dst_hbm.at[wid, pl.ds(p * hch, hch)], dst_v)
            _issue(0, rows_a, sem_a)

        @pl.loop(0, hch, step=2)
        def _(j):
            _drain(rows_a, sem_a)
            _issue(j + 1, rows_b, sem_b)
            pltpu.sync_copy(rows_a, agg_sh.at[dst_v.at[j]], add=True)

            @pl.when(j + 2 < hch)
            def _():
                _issue(j + 2, rows_a, sem_a)

            _drain(rows_b, sem_b)
            pltpu.sync_copy(rows_b, agg_sh.at[dst_v.at[j + 1]], add=True)

    plsc.subcore_barrier()
    pltpu.sync_copy(agg_sh.at[pl.ds(base, _RPS)],
                    out_hbm.at[c, pl.ds(base, _RPS)])


@functools.cache
def _sc_kernels():
    mesh = plsc.VectorSubcoreMesh(core_axis_name="c", subcore_axis_name="s",
                                  num_cores=_NC, num_subcores=_NS)
    deg = pl.kernel(
        _deg_body,
        out_type=jax.ShapeDtypeStruct((_NC, _NP, 8), jnp.float32),
        mesh=mesh,
        scratch_types=[
            pltpu.VMEM((_CH, _K), jnp.int32),
            pltpu.VMEM((_CH, _K), jnp.int32),
            pltpu.VMEM((_K, 8), jnp.float32),
            pltpu.VMEM((_K, 8), jnp.float32),
            pltpu.VMEM((_RPS, 8), jnp.float32),
            pltpu.VMEM_SHARED((_NP, 8), jnp.float32),
            pltpu.SemaphoreType.DMA,
            pltpu.SemaphoreType.DMA,
        ],
        compiler_params=pltpu.CompilerParams(use_tc_tiling_on_sc=False),
    )
    scatter = pl.kernel(
        _scatter_body,
        out_type=jax.ShapeDtypeStruct((_NC, _NP, _D), jnp.float32),
        mesh=mesh,
        scratch_types=[
            pltpu.VMEM((_CH // 2, _K), jnp.int32),
            pltpu.VMEM((_CH // 2, _K), jnp.int32),
            pltpu.VMEM((_K, _D), jnp.float32),
            pltpu.VMEM((_K, _D), jnp.float32),
            pltpu.VMEM_SHARED((_NP, _D), jnp.float32),
            pltpu.SemaphoreType.DMA,
            pltpu.SemaphoreType.DMA,
        ],
    )
    return deg, scatter


_R = 2048
_G = _NP // _R


def _norm(deg):
    return jnp.where(deg > 0, lax.rsqrt(jnp.maximum(deg, 1e-12)), 0.0)


_DSPEC0 = pl.BlockSpec((1, _R, 8), lambda i: (0, i, 0))
_DSPEC1 = pl.BlockSpec((1, _R, 8), lambda i: (1, i, 0))
_PSPEC0 = pl.BlockSpec((1, _R, _D), lambda i: (0, i, 0))
_PSPEC1 = pl.BlockSpec((1, _R, _D), lambda i: (1, i, 0))


def _prep_body(x_ref, w_ref, d0_ref, d1_ref, g1_ref):
    deg = d0_ref[...][0] + d1_ref[...][0]
    ns = _norm(deg[:, 0:1])
    y = jnp.dot(x_ref[...], w_ref[...], preferred_element_type=jnp.float32)
    g1_ref[...] = y * ns


_prep = pl.pallas_call(
    _prep_body,
    grid=(_G,),
    in_specs=[pl.BlockSpec((_R, _D), lambda i: (i, 0)),
              pl.BlockSpec((_D, _D), lambda i: (0, 0)),
              _DSPEC0, _DSPEC1],
    out_specs=pl.BlockSpec((_R, _D), lambda i: (i, 0)),
    out_shape=jax.ShapeDtypeStruct((_NP, _D), jnp.float32),
)


def _mid_body(p0_ref, p1_ref, d0_ref, d1_ref, w_ref, b_ref, out_ref):
    deg = d0_ref[...][0] + d1_ref[...][0]
    ns = _norm(deg[:, 0:1])
    nd = _norm(deg[:, 4:5])
    agg = (p0_ref[...][0] + p1_ref[...][0]) * nd
    h = jnp.maximum(agg + b_ref[...], 0.0)
    out_ref[...] = jnp.dot(h, w_ref[...],
                           preferred_element_type=jnp.float32) * ns


_mid = pl.pallas_call(
    _mid_body,
    grid=(_G,),
    in_specs=[_PSPEC0, _PSPEC1, _DSPEC0, _DSPEC1,
              pl.BlockSpec((_D, _D), lambda i: (0, 0)),
              pl.BlockSpec((1, _D), lambda i: (0, 0))],
    out_specs=pl.BlockSpec((_R, _D), lambda i: (i, 0)),
    out_shape=jax.ShapeDtypeStruct((_NP, _D), jnp.float32),
)


def _final_body(p0_ref, p1_ref, d0_ref, d1_ref, b_ref, out_ref):
    i = pl.program_id(0)
    deg = d0_ref[...][0] + d1_ref[...][0]
    nd = _norm(deg[:, 4:5])
    agg = (p0_ref[...][0] + p1_ref[...][0]) * nd
    h = jnp.maximum(agg + b_ref[...], 0.0)
    row = lax.broadcasted_iota(jnp.int32, (_R, 1), 0) + i * _R
    h = jnp.where(row < _N, h, 0.0)
    part = jnp.sum(h, axis=0, keepdims=True) * (1.0 / _N)

    @pl.when(i == 0)
    def _():
        out_ref[...] = part

    @pl.when(i > 0)
    def _():
        out_ref[...] += part


_final = pl.pallas_call(
    _final_body,
    grid=(_G,),
    in_specs=[_PSPEC0, _PSPEC1, _DSPEC0, _DSPEC1,
              pl.BlockSpec((1, _D), lambda i: (0, 0))],
    out_specs=pl.BlockSpec((1, _D), lambda i: (0, 0)),
    out_shape=jax.ShapeDtypeStruct((1, _D), jnp.float32),
)


def kernel(features, edge_index, W1, b1, W2, b2):
    src = edge_index[0].astype(jnp.int32)
    dst = edge_index[1].astype(jnp.int32)
    pad = jnp.asarray(_PAD_IDX)
    srcp = jnp.concatenate([src, pad]).reshape(_NW, _CH, _K)
    dstp = jnp.concatenate([dst, pad]).reshape(_NW, _CH, _K)
    xp = jnp.pad(features, ((0, _NP - _N), (0, 0)))
    one_src = jnp.zeros((_K, 8), jnp.float32).at[:, 0].set(1.0)
    one_dst = jnp.zeros((_K, 8), jnp.float32).at[:, 4].set(1.0)
    z8 = jnp.zeros((_RPS, 8), jnp.float32)
    zkd = jnp.zeros((_K, _D), jnp.float32)

    _deg_kernel, _scatter_kernel = _sc_kernels()
    deg_p = _deg_kernel(srcp, dstp, one_src, one_dst, z8)
    g1 = _prep(xp, W1, deg_p, deg_p)

    agg1 = _scatter_kernel(g1, srcp, dstp, zkd)
    g2 = _mid(agg1, agg1, deg_p, deg_p, W2, b1.reshape(1, _D))

    agg2 = _scatter_kernel(g2, srcp, dstp, zkd)
    return _final(agg2, agg2, deg_p, deg_p, b2.reshape(1, _D))

# --- scband reference (transcript-rebuilt; emitter-appended) ---
"""Pipeline reference for scband-gcn-2800318677433 (READ-ONLY COPY).

The authoritative reference and input builder live on the scoring server;
editing this copy changes nothing except your own understanding.
"""

import jax, jax.numpy as jnp
import numpy as np

N = 10000
E = 320000
D_IN = 128
D_OUT = 128


def _glorot_uniform(key, shape):
    fan_in, fan_out = shape[0], shape[1]
    limit = float(np.sqrt(6.0 / (fan_in + fan_out)))
    return jax.random.uniform(key, shape, minval=-limit, maxval=limit, dtype=jnp.float32)


def setup_inputs(seed: int = 0) -> dict:
    key = jax.random.key(seed)
    k1, k2, k3, k4 = jax.random.split(key, 4)
    features = jax.random.normal(k1, (N, D_IN), dtype=jnp.float32)
    edge_index = jax.random.randint(k2, (2, E), 0, N)
    W1 = _glorot_uniform(k3, (D_IN, D_IN))
    b1 = jnp.zeros((D_IN,), dtype=jnp.float32)
    W2 = _glorot_uniform(k4, (D_IN, D_OUT))
    b2 = jnp.zeros((D_OUT,), dtype=jnp.float32)
    return {"features": features, "edge_index": edge_index, "W1": W1, "b1": b1, "W2": W2, "b2": b2}


def _graph_conv(x, src, dst, W, b, n_nodes):
    # DGL GraphConv with norm='both' (symmetric normalization):
    # h = D_in^{-1/2} A D_out^{-1/2} x W + b
    ones = jnp.ones((src.shape[0],), dtype=jnp.float32)
    deg_out = jnp.zeros((n_nodes,), dtype=jnp.float32).at[src].add(ones)
    deg_in = jnp.zeros((n_nodes,), dtype=jnp.float32).at[dst].add(ones)
    norm_src = jnp.where(deg_out > 0, jax.lax.rsqrt(jnp.maximum(deg_out, 1e-12)), 0.0)
    norm_dst = jnp.where(deg_in > 0, jax.lax.rsqrt(jnp.maximum(deg_in, 1e-12)), 0.0)
    h = x * norm_src[:, None]
    msg = jnp.take(h, src, axis=0)
    agg = jnp.zeros((n_nodes, x.shape[1]), dtype=x.dtype).at[dst].add(msg)
    agg = agg * norm_dst[:, None]
    return agg @ W + b


def reference(features, edge_index, W1, b1, W2, b2):
    src = edge_index[0]
    dst = edge_index[1]
    n_nodes = features.shape[0]
    h = jax.nn.relu(_graph_conv(features, src, dst, W1, b1, n_nodes))
    h = jax.nn.relu(_graph_conv(h, src, dst, W2, b2, n_nodes))
    # dgl.mean_nodes over a single graph -> mean over all nodes -> [1, out_feats]
    return jnp.mean(h, axis=0, keepdims=True)

if __name__ == "__main__":
    import jax
    _d = setup_inputs()
    print(jax.jit(kernel)(*tuple(_d.values())))

</pallas_src>

<mosaic_0001>
#map = affine_map<(d0, d1) -> (0, 0)>
#map1 = affine_map<(d0, d1) -> (0, 0, 0)>
module attributes {stable_mosaic.version = 14 : i64} {
  func.func @_scatter_body(%arg0: i32, %arg1: i32, %arg2: memref<10240x128xf32, #tpu.memory_space<hbm>>, %arg3: memref<32x80x128xi32, #tpu.memory_space<hbm>>, %arg4: memref<32x80x128xi32, #tpu.memory_space<hbm>>, %arg5: memref<128x128xf32, #tpu.memory_space<hbm>>, %arg6: memref<2x10240x128xf32, #tpu.memory_space<hbm>>, %arg7: memref<40x128xi32, #tpu.memory_space<vmem>>, %arg8: memref<40x128xi32, #tpu.memory_space<vmem>>, %arg9: memref<128x128xf32, #tpu.memory_space<vmem>>, %arg10: memref<128x128xf32, #tpu.memory_space<vmem>>, %arg11: memref<10240x128xf32, #tpu.memory_space<vmem_shared>>, %arg12: memref<!tpu.dma_semaphore, #tpu.memory_space<semaphore_mem>>, %arg13: memref<!tpu.dma_semaphore, #tpu.memory_space<semaphore_mem>>) attributes {dimension_semantics = [#tpu.dimension_semantics<core_parallel>, #tpu.dimension_semantics<subcore_parallel>], iteration_bounds = array<i64: 2, 16>, scalar_prefetch = 0 : i64, scratch_operands = 7 : i64, tpu.core_type = #tpu.core_type<sc_vector_subcore>, window_params = [{transform_indices = #map}, {transform_indices = #map1}, {transform_indices = #map1}, {transform_indices = #map}, {transform_indices = #map1}]} {
    %mul3A = arith.constant 2 : i32
    %mul3A_0 = arith.muli %arg1, %mul3A : i32
    %add3A = arith.addi %mul3A_0, %arg0 : i32
    %mul3A_1 = arith.constant 640 : i32
    %mul3A_2 = arith.muli %arg1, %mul3A_1 : i32
    "tpu.region"() ({
      %run_scoped3A = tpu.sem_alloc : memref<!tpu.dma_semaphore, #tpu.memory_space<semaphore_mem>>
      %dma_start3A_19 = arith.constant 0 : i32
      %dma_start3A_20 = arith.constant 0 : i32
      %dma_start3A_21 = tpu.memref_slice %arg3[%add3A, %dma_start3A_19, %dma_start3A_20] : memref<32x80x128xi32, #tpu.memory_space<hbm>> -> memref<1x40x128xi32, #tpu.memory_space<hbm>>
      %dma_start3A_22 = tpu.memref_squeeze %dma_start3A_21 : memref<1x40x128xi32, #tpu.memory_space<hbm>> -> memref<40x128xi32, #tpu.memory_space<hbm>>
      %dma_start3A_23 = arith.constant 0 : i32
      %dma_start3A_24 = arith.constant 0 : i32
      %dma_start3A_25 = tpu.memref_slice %arg3[%add3A, %dma_start3A_23, %dma_start3A_24] : memref<32x80x128xi32, #tpu.memory_space<hbm>> -> memref<1x40x128xi32, #tpu.memory_space<hbm>>
      %dma_start3A_26 = tpu.memref_squeeze %dma_start3A_25 : memref<1x40x128xi32, #tpu.memory_space<hbm>> -> memref<40x128xi32, #tpu.memory_space<hbm>>
      tpu.enqueue_dma source(%dma_start3A_26 : memref<40x128xi32, #tpu.memory_space<hbm>>) target(%arg7 : memref<40x128xi32, #tpu.memory_space<vmem>>) target_semaphore(%run_scoped3A : memref<!tpu.dma_semaphore, #tpu.memory_space<semaphore_mem>>)
      %dma_wait3A = arith.constant 0 : i32
      %dma_wait3A_27 = arith.constant 0 : i32
      %dma_wait3A_28 = tpu.memref_slice %arg3[%add3A, %dma_wait3A, %dma_wait3A_27] : memref<32x80x128xi32, #tpu.memory_space<hbm>> -> memref<1x40x128xi32, #tpu.memory_space<hbm>>
      %dma_wait3A_29 = tpu.memref_squeeze %dma_wait3A_28 : memref<1x40x128xi32, #tpu.memory_space<hbm>> -> memref<40x128xi32, #tpu.memory_space<hbm>>
      %dma_wait3A_30 = arith.constant 0 : i32
      %dma_wait3A_31 = arith.constant 0 : i32
      %dma_wait3A_32 = tpu.memref_slice %arg3[%add3A, %dma_wait3A_30, %dma_wait3A_31] : memref<32x80x128xi32, #tpu.memory_space<hbm>> -> memref<1x40x128xi32, #tpu.memory_space<hbm>>
      %dma_wait3A_33 = tpu.memref_squeeze %dma_wait3A_32 : memref<1x40x128xi32, #tpu.memory_space<hbm>> -> memref<40x128xi32, #tpu.memory_space<hbm>>
      tpu.wait_dma2 semaphore(%run_scoped3A : memref<!tpu.dma_semaphore, #tpu.memory_space<semaphore_mem>>) src(%dma_wait3A_33 : memref<40x128xi32, #tpu.memory_space<hbm>>) dst(%arg7 : memref<40x128xi32, #tpu.memory_space<vmem>>)
      tpu.yield
    }) : () -> ()
    %dma_start3A = arith.constant 0 : i32
    %dma_start3A_3 = arith.constant 0 : i32
    %dma_start3A_4 = tpu.memref_slice %arg7[%dma_start3A, %dma_start3A_3] : memref<40x128xi32, #tpu.memory_space<vmem>> -> memref<1x128xi32, #tpu.memory_space<vmem>>
    %dma_start3A_5 = tpu.memref_squeeze %dma_start3A_4 : memref<1x128xi32, #tpu.memory_space<vmem>> -> memref<128xi32, #tpu.memory_space<vmem>>
    %dma_start3A_6 = arith.constant 0 : i32
    %dma_start3A_7 = arith.constant 0 : i32
    %dma_start3A_8 = tpu.memref_slice %arg2[%dma_start3A_6, %dma_start3A_7] : memref<10240x128xf32, #tpu.memory_space<hbm>> -> memref<10240x128xf32, #tpu.memory_space<hbm>>
    tpu.enqueue_indirect_dma source(%dma_start3A_8 : memref<10240x128xf32, #tpu.memory_space<hbm>>) target(%arg9 : memref<128x128xf32, #tpu.memory_space<vmem>>) offsets(%dma_start3A_5 : memref<128xi32, #tpu.memory_space<vmem>>) semaphore(%arg12 : memref<!tpu.dma_semaphore, #tpu.memory_space<semaphore_mem>>)
    "tpu.region"() ({
      %run_scoped3A = tpu.sem_alloc : memref<!tpu.dma_semaphore, #tpu.memory_space<semaphore_mem>>
      %dma_start3A_19 = arith.constant 0 : i32
      %dma_start3A_20 = arith.constant 0 : i32
      %dma_start3A_21 = tpu.memref_slice %arg4[%add3A, %dma_start3A_19, %dma_start3A_20] : memref<32x80x128xi32, #tpu.memory_space<hbm>> -> memref<1x40x128xi32, #tpu.memory_space<hbm>>
      %dma_start3A_22 = tpu.memref_squeeze %dma_start3A_21 : memref<1x40x128xi32, #tpu.memory_space<hbm>> -> memref<40x128xi32, #tpu.memory_space<hbm>>
      %dma_start3A_23 = arith.constant 0 : i32
      %dma_start3A_24 = arith.constant 0 : i32
      %dma_start3A_25 = tpu.memref_slice %arg4[%add3A, %dma_start3A_23, %dma_start3A_24] : memref<32x80x128xi32, #tpu.memory_space<hbm>> -> memref<1x40x128xi32, #tpu.memory_space<hbm>>
      %dma_start3A_26 = tpu.memref_squeeze %dma_start3A_25 : memref<1x40x128xi32, #tpu.memory_space<hbm>> -> memref<40x128xi32, #tpu.memory_space<hbm>>
      tpu.enqueue_dma source(%dma_start3A_26 : memref<40x128xi32, #tpu.memory_space<hbm>>) target(%arg8 : memref<40x128xi32, #tpu.memory_space<vmem>>) target_semaphore(%run_scoped3A : memref<!tpu.dma_semaphore, #tpu.memory_space<semaphore_mem>>)
      %dma_wait3A = arith.constant 0 : i32
      %dma_wait3A_27 = arith.constant 0 : i32
      %dma_wait3A_28 = tpu.memref_slice %arg4[%add3A, %dma_wait3A, %dma_wait3A_27] : memref<32x80x128xi32, #tpu.memory_space<hbm>> -> memref<1x40x128xi32, #tpu.memory_space<hbm>>
      %dma_wait3A_29 = tpu.memref_squeeze %dma_wait3A_28 : memref<1x40x128xi32, #tpu.memory_space<hbm>> -> memref<40x128xi32, #tpu.memory_space<hbm>>
      %dma_wait3A_30 = arith.constant 0 : i32
      %dma_wait3A_31 = arith.constant 0 : i32
      %dma_wait3A_32 = tpu.memref_slice %arg4[%add3A, %dma_wait3A_30, %dma_wait3A_31] : memref<32x80x128xi32, #tpu.memory_space<hbm>> -> memref<1x40x128xi32, #tpu.memory_space<hbm>>
      %dma_wait3A_33 = tpu.memref_squeeze %dma_wait3A_32 : memref<1x40x128xi32, #tpu.memory_space<hbm>> -> memref<40x128xi32, #tpu.memory_space<hbm>>
      tpu.wait_dma2 semaphore(%run_scoped3A : memref<!tpu.dma_semaphore, #tpu.memory_space<semaphore_mem>>) src(%dma_wait3A_33 : memref<40x128xi32, #tpu.memory_space<hbm>>) dst(%arg8 : memref<40x128xi32, #tpu.memory_space<vmem>>)
      tpu.yield
    }) : () -> ()
    "tpu.region"() ({
      %run_scoped3A = tpu.sem_alloc : memref<!tpu.dma_semaphore, #tpu.memory_space<semaphore_mem>>
      tpu.enqueue_dma source(%arg5 : memref<128x128xf32, #tpu.memory_space<hbm>>) target(%arg10 : memref<128x128xf32, #tpu.memory_space<vmem>>) target_semaphore(%run_scoped3A : memref<!tpu.dma_semaphore, #tpu.memory_space<semaphore_mem>>)
      tpu.wait_dma2 semaphore(%run_scoped3A : memref<!tpu.dma_semaphore, #tpu.memory_space<semaphore_mem>>) src(%arg5 : memref<128x128xf32, #tpu.memory_space<hbm>>) dst(%arg10 : memref<128x128xf32, #tpu.memory_space<vmem>>)
      tpu.yield
    }) : () -> ()
    %scan3A = arith.constant 0 : i32
    %scan3A_9 = arith.constant 5 : i32
    %scan3A_10 = arith.addi %scan3A, %scan3A_9 : i32
    %scan3A_11 = arith.constant 1 : i32
    scf.for %scan3A_19 = %scan3A to %scan3A_10 step %scan3A_11  : i32 {
      %mul3A_20 = arith.constant 1 : i32
      %mul3A_21 = arith.muli %scan3A_19, %mul3A_20 : i32
      %add3A_22 = arith.constant 0 : i32
      %add3A_23 = arith.addi %add3A_22, %mul3A_21 : i32
      %mul3A_24 = arith.constant 128 : i32
      %mul3A_25 = arith.muli %add3A_23, %mul3A_24 : i32
      %add3A_26 = arith.addi %mul3A_2, %mul3A_25 : i32
      "tpu.region"() ({
        %run_scoped3A = tpu.sem_alloc : memref<!tpu.dma_semaphore, #tpu.memory_space<semaphore_mem>>
        %dma_start3A_27 = arith.constant 0 : i32
        %dma_start3A_28 = tpu.memref_slice %arg11[%add3A_26, %dma_start3A_27] : memref<10240x128xf32, #tpu.memory_space<vmem_shared>> -> memref<128x128xf32, #tpu.memory_space<vmem_shared>>
        %dma_start3A_29 = arith.constant 0 : i32
        %dma_start3A_30 = tpu.memref_slice %arg11[%add3A_26, %dma_start3A_29] : memref<10240x128xf32, #tpu.memory_space<vmem_shared>> -> memref<128x128xf32, #tpu.memory_space<vmem_shared>>
        tpu.enqueue_dma source(%arg10 : memref<128x128xf32, #tpu.memory_space<vmem>>) target(%dma_start3A_30 : memref<128x128xf32, #tpu.memory_space<vmem_shared>>) target_semaphore(%run_scoped3A : memref<!tpu.dma_semaphore, #tpu.memory_space<semaphore_mem>>)
        %dma_wait3A = arith.constant 0 : i32
        %dma_wait3A_31 = tpu.memref_slice %arg11[%add3A_26, %dma_wait3A] : memref<10240x128xf32, #tpu.memory_space<vmem_shared>> -> memref<128x128xf32, #tpu.memory_space<vmem_shared>>
        %dma_wait3A_32 = arith.constant 0 : i32
        %dma_wait3A_33 = tpu.memref_slice %arg11[%add3A_26, %dma_wait3A_32] : memref<10240x128xf32, #tpu.memory_space<vmem_shared>> -> memref<128x128xf32, #tpu.memory_space<vmem_shared>>
        tpu.wait_dma2 semaphore(%run_scoped3A : memref<!tpu.dma_semaphore, #tpu.memory_space<semaphore_mem>>) src(%arg10 : memref<128x128xf32, #tpu.memory_space<vmem>>) dst(%dma_wait3A_33 : memref<128x128xf32, #tpu.memory_space<vmem_shared>>)
        tpu.yield
      }) : () -> ()
    }
    %scan3A_12 = arith.constant 5 : i32
    %barrier3A = arith.constant 0 : index
    tpu.barrier barrier_id(%barrier3A)
    %scan3A_13 = arith.constant 0 : i32
    %scan3A_14 = arith.constant 2 : i32
    %scan3A_15 = arith.addi %scan3A_13, %scan3A_14 : i32
    %scan3A_16 = arith.constant 1 : i32
    scf.for %scan3A_19 = %scan3A_13 to %scan3A_15 step %scan3A_16  : i32 {
      %mul3A_20 = arith.constant 1 : i32
      %mul3A_21 = arith.muli %scan3A_19, %mul3A_20 : i32
      %add3A_22 = arith.constant 0 : i32
      %add3A_23 = arith.addi %add3A_22, %mul3A_21 : i32
      %gt3A = arith.constant 0 : i32
      %gt3A_24 = arith.cmpi sgt, %add3A_23, %gt3A : i32
      %convert_element_type3A = arith.extui %gt3A_24 : i1 to i32
      %cond3A = arith.constant 0 : i32
      %cond3A_25 = arith.cmpi ne, %convert_element_type3A, %cond3A : i32
      scf.if %cond3A_25 {
        %mul3A_31 = arith.constant 40 : i32
        %mul3A_32 = arith.muli %add3A_23, %mul3A_31 : i32
        "tpu.region"() ({
          %run_scoped3A = tpu.sem_alloc : memref<!tpu.dma_semaphore, #tpu.memory_space<semaphore_mem>>
          %dma_start3A_42 = arith.constant 0 : i32
          %dma_start3A_43 = tpu.memref_slice %arg3[%add3A, %mul3A_32, %dma_start3A_42] : memref<32x80x128xi32, #tpu.memory_space<hbm>> -> memref<1x40x128xi32, #tpu.memory_space<hbm>>
          %dma_start3A_44 = tpu.memref_squeeze %dma_start3A_43 : memref<1x40x128xi32, #tpu.memory_space<hbm>> -> memref<40x128xi32, #tpu.memory_space<hbm>>
          %dma_start3A_45 = arith.constant 0 : i32
          %dma_start3A_46 = tpu.memref_slice %arg3[%add3A, %mul3A_32, %dma_start3A_45] : memref<32x80x128xi32, #tpu.memory_space<hbm>> -> memref<1x40x128xi32, #tpu.memory_space<hbm>>
          %dma_start3A_47 = tpu.memref_squeeze %dma_start3A_46 : memref<1x40x128xi32, #tpu.memory_space<hbm>> -> memref<40x128xi32, #tpu.memory_space<hbm>>
          tpu.enqueue_dma source(%dma_start3A_47 : memref<40x128xi32, #tpu.memory_space<hbm>>) target(%arg7 : memref<40x128xi32, #tpu.memory_space<vmem>>) target_semaphore(%run_scoped3A : memref<!tpu.dma_semaphore, #tpu.memory_space<semaphore_mem>>)
          %dma_wait3A = arith.constant 0 : i32
          %dma_wait3A_48 = tpu.memref_slice %arg3[%add3A, %mul3A_32, %dma_wait3A] : memref<32x80x128xi32, #tpu.memory_space<hbm>> -> memref<1x40x128xi32, #tpu.memory_space<hbm>>
          %dma_wait3A_49 = tpu.memref_squeeze %dma_wait3A_48 : memref<1x40x128xi32, #tpu.memory_space<hbm>> -> memref<40x128xi32, #tpu.memory_space<hbm>>
          %dma_wait3A_50 = arith.constant 0 : i32
          %dma_wait3A_51 = tpu.memref_slice %arg3[%add3A, %mul3A_32, %dma_wait3A_50] : memref<32x80x128xi32, #tpu.memory_space<hbm>> -> memref<1x40x128xi32, #tpu.memory_space<hbm>>
          %dma_wait3A_52 = tpu.memref_squeeze %dma_wait3A_51 : memref<1x40x128xi32, #tpu.memory_space<hbm>> -> memref<40x128xi32, #tpu.memory_space<hbm>>
          tpu.wait_dma2 semaphore(%run_scoped3A : memref<!tpu.dma_semaphore, #tpu.memory_space<semaphore_mem>>) src(%dma_wait3A_52 : memref<40x128xi32, #tpu.memory_space<hbm>>) dst(%arg7 : memref<40x128xi32, #tpu.memory_space<vmem>>)
          tpu.yield
        }) : () -> ()
        %mul3A_33 = arith.constant 40 : i32
        %mul3A_34 = arith.muli %add3A_23, %mul3A_33 : i32
        "tpu.region"() ({
          %run_scoped3A = tpu.sem_alloc : memref<!tpu.dma_semaphore, #tpu.memory_space<semaphore_mem>>
          %dma_start3A_42 = arith.constant 0 : i32
          %dma_start3A_43 = tpu.memref_slice %arg4[%add3A, %mul3A_34, %dma_start3A_42] : memref<32x80x128xi32, #tpu.memory_space<hbm>> -> memref<1x40x128xi32, #tpu.memory_space<hbm>>
          %dma_start3A_44 = tpu.memref_squeeze %dma_start3A_43 : memref<1x40x128xi32, #tpu.memory_space<hbm>> -> memref<40x128xi32, #tpu.memory_space<hbm>>
          %dma_start3A_45 = arith.constant 0 : i32
          %dma_start3A_46 = tpu.memref_slice %arg4[%add3A, %mul3A_34, %dma_start3A_45] : memref<32x80x128xi32, #tpu.memory_space<hbm>> -> memref<1x40x128xi32, #tpu.memory_space<hbm>>
          %dma_start3A_47 = tpu.memref_squeeze %dma_start3A_46 : memref<1x40x128xi32, #tpu.memory_space<hbm>> -> memref<40x128xi32, #tpu.memory_space<hbm>>
          tpu.enqueue_dma source(%dma_start3A_47 : memref<40x128xi32, #tpu.memory_space<hbm>>) target(%arg8 : memref<40x128xi32, #tpu.memory_space<vmem>>) target_semaphore(%run_scoped3A : memref<!tpu.dma_semaphore, #tpu.memory_space<semaphore_mem>>)
          %dma_wait3A = arith.constant 0 : i32
          %dma_wait3A_48 = tpu.memref_slice %arg4[%add3A, %mul3A_34, %dma_wait3A] : memref<32x80x128xi32, #tpu.memory_space<hbm>> -> memref<1x40x128xi32, #tpu.memory_space<hbm>>
          %dma_wait3A_49 = tpu.memref_squeeze %dma_wait3A_48 : memref<1x40x128xi32, #tpu.memory_space<hbm>> -> memref<40x128xi32, #tpu.memory_space<hbm>>
          %dma_wait3A_50 = arith.constant 0 : i32
          %dma_wait3A_51 = tpu.memref_slice %arg4[%add3A, %mul3A_34, %dma_wait3A_50] : memref<32x80x128xi32, #tpu.memory_space<hbm>> -> memref<1x40x128xi32, #tpu.memory_space<hbm>>
          %dma_wait3A_52 = tpu.memref_squeeze %dma_wait3A_51 : memref<1x40x128xi32, #tpu.memory_space<hbm>> -> memref<40x128xi32, #tpu.memory_space<hbm>>
          tpu.wait_dma2 semaphore(%run_scoped3A : memref<!tpu.dma_semaphore, #tpu.memory_space<semaphore_mem>>) src(%dma_wait3A_52 : memref<40x128xi32, #tpu.memory_space<hbm>>) dst(%arg8 : memref<40x128xi32, #tpu.memory_space<vmem>>)
          tpu.yield
        }) : () -> ()
        %dma_start3A_35 = arith.constant 0 : i32
        %dma_start3A_36 = arith.constant 0 : i32
        %dma_start3A_37 = tpu.memref_slice %arg7[%dma_start3A_35, %dma_start3A_36] : memref<40x128xi32, #tpu.memory_space<vmem>> -> memref<1x128xi32, #tpu.memory_space<vmem>>
        %dma_start3A_38 = tpu.memref_squeeze %dma_start3A_37 : memref<1x128xi32, #tpu.memory_space<vmem>> -> memref<128xi32, #tpu.memory_space<vmem>>
        %dma_start3A_39 = arith.constant 0 : i32
        %dma_start3A_40 = arith.constant 0 : i32
        %dma_start3A_41 = tpu.memref_slice %arg2[%dma_start3A_39, %dma_start3A_40] : memref<10240x128xf32, #tpu.memory_space<hbm>> -> memref<10240x128xf32, #tpu.memory_space<hbm>>
        tpu.enqueue_indirect_dma source(%dma_start3A_41 : memref<10240x128xf32, #tpu.memory_space<hbm>>) target(%arg9 : memref<128x128xf32, #tpu.memory_space<vmem>>) offsets(%dma_start3A_38 : memref<128xi32, #tpu.memory_space<vmem>>) semaphore(%arg12 : memref<!tpu.dma_semaphore, #tpu.memory_space<semaphore_mem>>)
      } else {
      }
      %scan3A_26 = arith.constant 0 : i32
      %scan3A_27 = arith.constant 20 : i32
      %scan3A_28 = arith.addi %scan3A_26, %scan3A_27 : i32
      %scan3A_29 = arith.constant 1 : i32
      scf.for %scan3A_31 = %scan3A_26 to %scan3A_28 step %scan3A_29  : i32 {
        %mul3A_32 = arith.constant 2 : i32
        %mul3A_33 = arith.muli %scan3A_31, %mul3A_32 : i32
        %add3A_34 = arith.constant 0 : i32
        %add3A_35 = arith.addi %add3A_34, %mul3A_33 : i32
        %dma_wait3A = arith.constant 0 : i32
        %dma_wait3A_36 = arith.constant 0 : i32
        %dma_wait3A_37 = tpu.memref_slice %arg2[%dma_wait3A, %dma_wait3A_36] : memref<10240x128xf32, #tpu.memory_space<hbm>> -> memref<128x128xf32, #tpu.memory_space<hbm>>
        %dma_wait3A_38 = arith.constant 0 : i32
        %dma_wait3A_39 = arith.constant 0 : i32
        %dma_wait3A_40 = tpu.memref_slice %arg2[%dma_wait3A_38, %dma_wait3A_39] : memref<10240x128xf32, #tpu.memory_space<hbm>> -> memref<128x128xf32, #tpu.memory_space<hbm>>
        tpu.wait_dma2 semaphore(%arg12 : memref<!tpu.dma_semaphore, #tpu.memory_space<semaphore_mem>>) src(%dma_wait3A_40 : memref<128x128xf32, #tpu.memory_space<hbm>>) dst(%arg9 : memref<128x128xf32, #tpu.memory_space<vmem>>)
        %add3A_41 = arith.constant 1 : i32
        %add3A_42 = arith.addi %add3A_35, %add3A_41 : i32
        %dma_start3A_43 = arith.constant 0 : i32
        %dma_start3A_44 = tpu.memref_slice %arg7[%add3A_42, %dma_start3A_43] : memref<40x128xi32, #tpu.memory_space<vmem>> -> memref<1x128xi32, #tpu.memory_space<vmem>>
        %dma_start3A_45 = tpu.memref_squeeze %dma_start3A_44 : memref<1x128xi32, #tpu.memory_space<vmem>> -> memref<128xi32, #tpu.memory_space<vmem>>
        %dma_start3A_46 = arith.constant 0 : i32
        %dma_start3A_47 = arith.constant 0 : i32
        %dma_start3A_48 = tpu.memref_slice %arg2[%dma_start3A_46, %dma_start3A_47] : memref<10240x128xf32, #tpu.memory_space<hbm>> -> memref<10240x128xf32, #tpu.memory_space<hbm>>
        tpu.enqueue_indirect_dma source(%dma_start3A_48 : memref<10240x128xf32, #tpu.memory_space<hbm>>) target(%arg10 : memref<128x128xf32, #tpu.memory_space<vmem>>) offsets(%dma_start3A_45 : memref<128xi32, #tpu.memory_space<vmem>>) semaphore(%arg13 : memref<!tpu.dma_semaphore, #tpu.memory_space<semaphore_mem>>)
        "tpu.region"() ({
          %run_scoped3A = tpu.sem_alloc : memref<!tpu.dma_semaphore, #tpu.memory_space<semaphore_mem>>
          %dma_start3A_63 = arith.constant 0 : i32
          %dma_start3A_64 = tpu.memref_slice %arg8[%add3A_35, %dma_start3A_63] : memref<40x128xi32, #tpu.memory_space<vmem>> -> memref<1x128xi32, #tpu.memory_space<vmem>>
          %dma_start3A_65 = tpu.memref_squeeze %dma_start3A_64 : memref<1x128xi32, #tpu.memory_space<vmem>> -> memref<128xi32, #tpu.memory_space<vmem>>
          %dma_start3A_66 = arith.constant 0 : i32
          %dma_start3A_67 = arith.constant 0 : i32
          %dma_start3A_68 = tpu.memref_slice %arg11[%dma_start3A_66, %dma_start3A_67] : memref<10240x128xf32, #tpu.memory_space<vmem_shared>> -> memref<10240x128xf32, #tpu.memory_space<vmem_shared>>
          tpu.enqueue_indirect_dma source(%arg9 : memref<128x128xf32, #tpu.memory_space<vmem>>) target(%dma_start3A_68 : memref<10240x128xf32, #tpu.memory_space<vmem_shared>>) offsets(%dma_start3A_65 : memref<128xi32, #tpu.memory_space<vmem>>) semaphore(%run_scoped3A : memref<!tpu.dma_semaphore, #tpu.memory_space<semaphore_mem>>) {add = true}
          %dma_wait3A_69 = arith.constant 0 : i32
          %dma_wait3A_70 = tpu.memref_slice %arg8[%add3A_35, %dma_wait3A_69] : memref<40x128xi32, #tpu.memory_space<vmem>> -> memref<1x128xi32, #tpu.memory_space<vmem>>
          %dma_wait3A_71 = tpu.memref_squeeze %dma_wait3A_70 : memref<1x128xi32, #tpu.memory_space<vmem>> -> memref<128xi32, #tpu.memory_space<vmem>>
          %dma_wait3A_72 = arith.constant 0 : i32
          %dma_wait3A_73 = arith.constant 0 : i32
          %dma_wait3A_74 = tpu.memref_slice %arg11[%dma_wait3A_72, %dma_wait3A_73] : memref<10240x128xf32, #tpu.memory_space<vmem_shared>> -> memref<10240x128xf32, #tpu.memory_space<vmem_shared>>
          tpu.wait_indirect_dma semaphore(%run_scoped3A : memref<!tpu.dma_semaphore, #tpu.memory_space<semaphore_mem>>) src(%arg9 : memref<128x128xf32, #tpu.memory_space<vmem>>) dst(%dma_wait3A_74 : memref<10240x128xf32, #tpu.memory_space<vmem_shared>>)
          tpu.yield
        }) : () -> ()
        %add3A_49 = arith.constant 2 : i32
        %add3A_50 = arith.addi %add3A_35, %add3A_49 : i32
        %lt3A = arith.constant 40 : i32
        %lt3A_51 = arith.cmpi slt, %add3A_50, %lt3A : i32
        %convert_element_type3A_52 = arith.extui %lt3A_51 : i1 to i32
        %cond3A_53 = arith.constant 0 : i32
        %cond3A_54 = arith.cmpi ne, %convert_element_type3A_52, %cond3A_53 : i32
        scf.if %cond3A_54 {
          %add3A_63 = arith.constant 2 : i32
          %add3A_64 = arith.addi %add3A_35, %add3A_63 : i32
          %dma_start3A_65 = arith.constant 0 : i32
          %dma_start3A_66 = tpu.memref_slice %arg7[%add3A_64, %dma_start3A_65] : memref<40x128xi32, #tpu.memory_space<vmem>> -> memref<1x128xi32, #tpu.memory_space<vmem>>
          %dma_start3A_67 = tpu.memref_squeeze %dma_start3A_66 : memref<1x128xi32, #tpu.memory_space<vmem>> -> memref<128xi32, #tpu.memory_space<vmem>>
          %dma_start3A_68 = arith.constant 0 : i32
          %dma_start3A_69 = arith.constant 0 : i32
          %dma_start3A_70 = tpu.memref_slice %arg2[%dma_start3A_68, %dma_start3A_69] : memref<10240x128xf32, #tpu.memory_space<hbm>> -> memref<10240x128xf32, #tpu.memory_space<hbm>>
          tpu.enqueue_indirect_dma source(%dma_start3A_70 : memref<10240x128xf32, #tpu.memory_space<hbm>>) target(%arg9 : memref<128x128xf32, #tpu.memory_space<vmem>>) offsets(%dma_start3A_67 : memref<128xi32, #tpu.memory_space<vmem>>) semaphore(%arg12 : memref<!tpu.dma_semaphore, #tpu.memory_space<semaphore_mem>>)
        } else {
        }
        %dma_wait3A_55 = arith.constant 0 : i32
        %dma_wait3A_56 = arith.constant 0 : i32
        %dma_wait3A_57 = tpu.memref_slice %arg2[%dma_wait3A_55, %dma_wait3A_56] : memref<10240x128xf32, #tpu.memory_space<hbm>> -> memref<128x128xf32, #tpu.memory_space<hbm>>
        %dma_wait3A_58 = arith.constant 0 : i32
        %dma_wait3A_59 = arith.constant 0 : i32
        %dma_wait3A_60 = tpu.memref_slice %arg2[%dma_wait3A_58, %dma_wait3A_59] : memref<10240x128xf32, #tpu.memory_space<hbm>> -> memref<128x128xf32, #tpu.memory_space<hbm>>
        tpu.wait_dma2 semaphore(%arg13 : memref<!tpu.dma_semaphore, #tpu.memory_space<semaphore_mem>>) src(%dma_wait3A_60 : memref<128x128xf32, #tpu.memory_space<hbm>>) dst(%arg10 : memref<128x128xf32, #tpu.memory_space<vmem>>)
        %add3A_61 = arith.constant 1 : i32
        %add3A_62 = arith.addi %add3A_35, %add3A_61 : i32
        "tpu.region"() ({
          %run_scoped3A = tpu.sem_alloc : memref<!tpu.dma_semaphore, #tpu.memory_space<semaphore_mem>>
          %dma_start3A_63 = arith.constant 0 : i32
          %dma_start3A_64 = tpu.memref_slice %arg8[%add3A_62, %dma_start3A_63] : memref<40x128xi32, #tpu.memory_space<vmem>> -> memref<1x128xi32, #tpu.memory_space<vmem>>
          %dma_start3A_65 = tpu.memref_squeeze %dma_start3A_64 : memref<1x128xi32, #tpu.memory_space<vmem>> -> memref<128xi32, #tpu.memory_space<vmem>>
          %dma_start3A_66 = arith.constant 0 : i32
          %dma_start3A_67 = arith.constant 0 : i32
          %dma_start3A_68 = tpu.memref_slice %arg11[%dma_start3A_66, %dma_start3A_67] : memref<10240x128xf32, #tpu.memory_space<vmem_shared>> -> memref<10240x128xf32, #tpu.memory_space<vmem_shared>>
          tpu.enqueue_indirect_dma source(%arg10 : memref<128x128xf32, #tpu.memory_space<vmem>>) target(%dma_start3A_68 : memref<10240x128xf32, #tpu.memory_space<vmem_shared>>) offsets(%dma_start3A_65 : memref<128xi32, #tpu.memory_space<vmem>>) semaphore(%run_scoped3A : memref<!tpu.dma_semaphore, #tpu.memory_space<semaphore_mem>>) {add = true}
          %dma_wait3A_69 = arith.constant 0 : i32
          %dma_wait3A_70 = tpu.memref_slice %arg8[%add3A_62, %dma_wait3A_69] : memref<40x128xi32, #tpu.memory_space<vmem>> -> memref<1x128xi32, #tpu.memory_space<vmem>>
          %dma_wait3A_71 = tpu.memref_squeeze %dma_wait3A_70 : memref<1x128xi32, #tpu.memory_space<vmem>> -> memref<128xi32, #tpu.memory_space<vmem>>
          %dma_wait3A_72 = arith.constant 0 : i32
          %dma_wait3A_73 = arith.constant 0 : i32
          %dma_wait3A_74 = tpu.memref_slice %arg11[%dma_wait3A_72, %dma_wait3A_73] : memref<10240x128xf32, #tpu.memory_space<vmem_shared>> -> memref<10240x128xf32, #tpu.memory_space<vmem_shared>>
          tpu.wait_indirect_dma semaphore(%run_scoped3A : memref<!tpu.dma_semaphore, #tpu.memory_space<semaphore_mem>>) src(%arg10 : memref<128x128xf32, #tpu.memory_space<vmem>>) dst(%dma_wait3A_74 : memref<10240x128xf32, #tpu.memory_space<vmem_shared>>)
          tpu.yield
        }) : () -> ()
      }
      %scan3A_30 = arith.constant 20 : i32
    }
    %scan3A_17 = arith.constant 2 : i32
    %barrier3A_18 = arith.constant 0 : index
    tpu.barrier barrier_id(%barrier3A_18)
    "tpu.region"() ({
      %run_scoped3A = tpu.sem_alloc : memref<!tpu.dma_semaphore, #tpu.memory_space<semaphore_mem>>
      %dma_start3A_19 = arith.constant 0 : i32
      %dma_start3A_20 = tpu.memref_slice %arg6[%arg0, %mul3A_2, %dma_start3A_19] : memref<2x10240x128xf32, #tpu.memory_space<hbm>> -> memref<1x640x128xf32, #tpu.memory_space<hbm>>
      %dma_start3A_21 = tpu.memref_squeeze %dma_start3A_20 : memref<1x640x128xf32, #tpu.memory_space<hbm>> -> memref<640x128xf32, #tpu.memory_space<hbm>>
      %dma_start3A_22 = arith.constant 0 : i32
      %dma_start3A_23 = tpu.memref_slice %arg11[%mul3A_2, %dma_start3A_22] : memref<10240x128xf32, #tpu.memory_space<vmem_shared>> -> memref<640x128xf32, #tpu.memory_space<vmem_shared>>
      tpu.enqueue_dma source(%dma_start3A_23 : memref<640x128xf32, #tpu.memory_space<vmem_shared>>) target(%dma_start3A_21 : memref<640x128xf32, #tpu.memory_space<hbm>>) target_semaphore(%run_scoped3A : memref<!tpu.dma_semaphore, #tpu.memory_space<semaphore_mem>>)
      %dma_wait3A = arith.constant 0 : i32
      %dma_wait3A_24 = tpu.memref_slice %arg6[%arg0, %mul3A_2, %dma_wait3A] : memref<2x10240x128xf32, #tpu.memory_space<hbm>> -> memref<1x640x128xf32, #tpu.memory_space<hbm>>
      %dma_wait3A_25 = tpu.memref_squeeze %dma_wait3A_24 : memref<1x640x128xf32, #tpu.memory_space<hbm>> -> memref<640x128xf32, #tpu.memory_space<hbm>>
      %dma_wait3A_26 = arith.constant 0 : i32
      %dma_wait3A_27 = tpu.memref_slice %arg11[%mul3A_2, %dma_wait3A_26] : memref<10240x128xf32, #tpu.memory_space<vmem_shared>> -> memref<640x128xf32, #tpu.memory_space<vmem_shared>>
      tpu.wait_dma2 semaphore(%run_scoped3A : memref<!tpu.dma_semaphore, #tpu.memory_space<semaphore_mem>>) src(%dma_wait3A_27 : memref<640x128xf32, #tpu.memory_space<vmem_shared>>) dst(%dma_wait3A_25 : memref<640x128xf32, #tpu.memory_space<hbm>>)
      tpu.yield
    }) : () -> ()
    return
  }
}

#map = affine_map<(d0, d1) -> (0, 0)>
#map1 = affine_map<(d0, d1) -> (0, 0, 0)>
module attributes {stable_mosaic.version = 14 : i64} {
  func.func @_scatter_body(%arg0: i32, %arg1: i32, %arg2: memref<10240x128xf32, #tpu.memory_space<hbm>>, %arg3: memref<32x80x128xi32, #tpu.memory_space<hbm>>, %arg4: memref<32x80x128xi32, #tpu.memory_space<hbm>>, %arg5: memref<128x128xf32, #tpu.memory_space<hbm>>, %arg6: memref<2x10240x128xf32, #tpu.memory_space<hbm>>, %arg7: memref<40x128xi32, #tpu.memory_space<vmem>>, %arg8: memref<40x128xi32, #tpu.memory_space<vmem>>, %arg9: memref<128x128xf32, #tpu.memory_space<vmem>>, %arg10: memref<128x128xf32, #tpu.memory_space<vmem>>, %arg11: memref<10240x128xf32, #tpu.memory_space<vmem_shared>>, %arg12: memref<!tpu.dma_semaphore, #tpu.memory_space<semaphore_mem>>, %arg13: memref<!tpu.dma_semaphore, #tpu.memory_space<semaphore_mem>>) attributes {dimension_semantics = [#tpu.dimension_semantics<core_parallel>, #tpu.dimension_semantics<subcore_parallel>], iteration_bounds = array<i64: 2, 16>, scalar_prefetch = 0 : i64, scratch_operands = 7 : i64, tpu.core_type = #tpu.core_type<sc_vector_subcore>, window_params = [{transform_indices = #map}, {transform_indices = #map1}, {transform_indices = #map1}, {transform_indices = #map}, {transform_indices = #map1}]} {
    %mul3A = arith.constant 2 : i32
    %mul3A_0 = arith.muli %arg1, %mul3A : i32
    %add3A = arith.addi %mul3A_0, %arg0 : i32
    %mul3A_1 = arith.constant 640 : i32
    %mul3A_2 = arith.muli %arg1, %mul3A_1 : i32
    "tpu.region"() ({
      %run_scoped3A = tpu.sem_alloc : memref<!tpu.dma_semaphore, #tpu.memory_space<semaphore_mem>>
      %dma_start3A_19 = arith.constant 0 : i32
      %dma_start3A_20 = arith.constant 0 : i32
      %dma_start3A_21 = tpu.memref_slice %arg3[%add3A, %dma_start3A_19, %dma_start3A_20] : memref<32x80x128xi32, #tpu.memory_space<hbm>> -> memref<1x40x128xi32, #tpu.memory_space<hbm>>
      %dma_start3A_22 = tpu.memref_squeeze %dma_start3A_21 : memref<1x40x128xi32, #tpu.memory_space<hbm>> -> memref<40x128xi32, #tpu.memory_space<hbm>>
      %dma_start3A_23 = arith.constant 0 : i32
      %dma_start3A_24 = arith.constant 0 : i32
      %dma_start3A_25 = tpu.memref_slice %arg3[%add3A, %dma_start3A_23, %dma_start3A_24] : memref<32x80x128xi32, #tpu.memory_space<hbm>> -> memref<1x40x128xi32, #tpu.memory_space<hbm>>
      %dma_start3A_26 = tpu.memref_squeeze %dma_start3A_25 : memref<1x40x128xi32, #tpu.memory_space<hbm>> -> memref<40x128xi32, #tpu.memory_space<hbm>>
      tpu.enqueue_dma source(%dma_start3A_26 : memref<40x128xi32, #tpu.memory_space<hbm>>) target(%arg7 : memref<40x128xi32, #tpu.memory_space<vmem>>) target_semaphore(%run_scoped3A : memref<!tpu.dma_semaphore, #tpu.memory_space<semaphore_mem>>)
      %dma_wait3A = arith.constant 0 : i32
      %dma_wait3A_27 = arith.constant 0 : i32
      %dma_wait3A_28 = tpu.memref_slice %arg3[%add3A, %dma_wait3A, %dma_wait3A_27] : memref<32x80x128xi32, #tpu.memory_space<hbm>> -> memref<1x40x128xi32, #tpu.memory_space<hbm>>
      %dma_wait3A_29 = tpu.memref_squeeze %dma_wait3A_28 : memref<1x40x128xi32, #tpu.memory_space<hbm>> -> memref<40x128xi32, #tpu.memory_space<hbm>>
      %dma_wait3A_30 = arith.constant 0 : i32
      %dma_wait3A_31 = arith.constant 0 : i32
      %dma_wait3A_32 = tpu.memref_slice %arg3[%add3A, %dma_wait3A_30, %dma_wait3A_31] : memref<32x80x128xi32, #tpu.memory_space<hbm>> -> memref<1x40x128xi32, #tpu.memory_space<hbm>>
      %dma_wait3A_33 = tpu.memref_squeeze %dma_wait3A_32 : memref<1x40x128xi32, #tpu.memory_space<hbm>> -> memref<40x128xi32, #tpu.memory_space<hbm>>
      tpu.wait_dma2 semaphore(%run_scoped3A : memref<!tpu.dma_semaphore, #tpu.memory_space<semaphore_mem>>) src(%dma_wait3A_33 : memref<40x128xi32, #tpu.memory_space<hbm>>) dst(%arg7 : memref<40x128xi32, #tpu.memory_space<vmem>>)
      tpu.yield
    }) : () -> ()
    %dma_start3A = arith.constant 0 : i32
    %dma_start3A_3 = arith.constant 0 : i32
    %dma_start3A_4 = tpu.memref_slice %arg7[%dma_start3A, %dma_start3A_3] : memref<40x128xi32, #tpu.memory_space<vmem>> -> memref<1x128xi32, #tpu.memory_space<vmem>>
    %dma_start3A_5 = tpu.memref_squeeze %dma_start3A_4 : memref<1x128xi32, #tpu.memory_space<vmem>> -> memref<128xi32, #tpu.memory_space<vmem>>
    %dma_start3A_6 = arith.constant 0 : i32
    %dma_start3A_7 = arith.constant 0 : i32
    %dma_start3A_8 = tpu.memref_slice %arg2[%dma_start3A_6, %dma_start3A_7] : memref<10240x128xf32, #tpu.memory_space<hbm>> -> memref<10240x128xf32, #tpu.memory_space<hbm>>
    tpu.enqueue_indirect_dma source(%dma_start3A_8 : memref<10240x128xf32, #tpu.memory_space<hbm>>) target(%arg9 : memref<128x128xf32, #tpu.memory_space<vmem>>) offsets(%dma_start3A_5 : memref<128xi32, #tpu.memory_space<vmem>>) semaphore(%arg12 : memref<!tpu.dma_semaphore, #tpu.memory_space<semaphore_mem>>)
    "tpu.region"() ({
      %run_scoped3A = tpu.sem_alloc : memref<!tpu.dma_semaphore, #tpu.memory_space<semaphore_mem>>
      %dma_start3A_19 = arith.constant 0 : i32
      %dma_start3A_20 = arith.constant 0 : i32
      %dma_start3A_21 = tpu.memref_slice %arg4[%add3A, %dma_start3A_19, %dma_start3A_20] : memref<32x80x128xi32, #tpu.memory_space<hbm>> -> memref<1x40x128xi32, #tpu.memory_space<hbm>>
      %dma_start3A_22 = tpu.memref_squeeze %dma_start3A_21 : memref<1x40x128xi32, #tpu.memory_space<hbm>> -> memref<40x128xi32, #tpu.memory_space<hbm>>
      %dma_start3A_23 = arith.constant 0 : i32
      %dma_start3A_24 = arith.constant 0 : i32
      %dma_start3A_25 = tpu.memref_slice %arg4[%add3A, %dma_start3A_23, %dma_start3A_24] : memref<32x80x128xi32, #tpu.memory_space<hbm>> -> memref<1x40x128xi32, #tpu.memory_space<hbm>>
      %dma_start3A_26 = tpu.memref_squeeze %dma_start3A_25 : memref<1x40x128xi32, #tpu.memory_space<hbm>> -> memref<40x128xi32, #tpu.memory_space<hbm>>
      tpu.enqueue_dma source(%dma_start3A_26 : memref<40x128xi32, #tpu.memory_space<hbm>>) target(%arg8 : memref<40x128xi32, #tpu.memory_space<vmem>>) target_semaphore(%run_scoped3A : memref<!tpu.dma_semaphore, #tpu.memory_space<semaphore_mem>>)
      %dma_wait3A = arith.constant 0 : i32
      %dma_wait3A_27 = arith.constant 0 : i32
      %dma_wait3A_28 = tpu.memref_slice %arg4[%add3A, %dma_wait3A, %dma_wait3A_27] : memref<32x80x128xi32, #tpu.memory_space<hbm>> -> memref<1x40x128xi32, #tpu.memory_space<hbm>>
      %dma_wait3A_29 = tpu.memref_squeeze %dma_wait3A_28 : memref<1x40x128xi32, #tpu.memory_space<hbm>> -> memref<40x128xi32, #tpu.memory_space<hbm>>
      %dma_wait3A_30 = arith.constant 0 : i32
      %dma_wait3A_31 = arith.constant 0 : i32
      %dma_wait3A_32 = tpu.memref_slice %arg4[%add3A, %dma_wait3A_30, %dma_wait3A_31] : memref<32x80x128xi32, #tpu.memory_space<hbm>> -> memref<1x40x128xi32, #tpu.memory_space<hbm>>
      %dma_wait3A_33 = tpu.memref_squeeze %dma_wait3A_32 : memref<1x40x128xi32, #tpu.memory_space<hbm>> -> memref<40x128xi32, #tpu.memory_space<hbm>>
      tpu.wait_dma2 semaphore(%run_scoped3A : memref<!tpu.dma_semaphore, #tpu.memory_space<semaphore_mem>>) src(%dma_wait3A_33 : memref<40x128xi32, #tpu.memory_space<hbm>>) dst(%arg8 : memref<40x128xi32, #tpu.memory_space<vmem>>)
      tpu.yield
    }) : () -> ()
    "tpu.region"() ({
      %run_scoped3A = tpu.sem_alloc : memref<!tpu.dma_semaphore, #tpu.memory_space<semaphore_mem>>
      tpu.enqueue_dma source(%arg5 : memref<128x128xf32, #tpu.memory_space<hbm>>) target(%arg10 : memref<128x128xf32, #tpu.memory_space<vmem>>) target_semaphore(%run_scoped3A : memref<!tpu.dma_semaphore, #tpu.memory_space<semaphore_mem>>)
      tpu.wait_dma2 semaphore(%run_scoped3A : memref<!tpu.dma_semaphore, #tpu.memory_space<semaphore_mem>>) src(%arg5 : memref<128x128xf32, #tpu.memory_space<hbm>>) dst(%arg10 : memref<128x128xf32, #tpu.memory_space<vmem>>)
      tpu.yield
    }) : () -> ()
    %scan3A = arith.constant 0 : i32
    %scan3A_9 = arith.constant 5 : i32
    %scan3A_10 = arith.addi %scan3A, %scan3A_9 : i32
    %scan3A_11 = arith.constant 1 : i32
    scf.for %scan3A_19 = %scan3A to %scan3A_10 step %scan3A_11  : i32 {
      %mul3A_20 = arith.constant 1 : i32
      %mul3A_21 = arith.muli %scan3A_19, %mul3A_20 : i32
      %add3A_22 = arith.constant 0 : i32
      %add3A_23 = arith.addi %add3A_22, %mul3A_21 : i32
      %mul3A_24 = arith.constant 128 : i32
      %mul3A_25 = arith.muli %add3A_23, %mul3A_24 : i32
      %add3A_26 = arith.addi %mul3A_2, %mul3A_25 : i32
      "tpu.region"() ({
        %run_scoped3A = tpu.sem_alloc : memref<!tpu.dma_semaphore, #tpu.memory_space<semaphore_mem>>
        %dma_start3A_27 = arith.constant 0 : i32
        %dma_start3A_28 = tpu.memref_slice %arg11[%add3A_26, %dma_start3A_27] : memref<10240x128xf32, #tpu.memory_space<vmem_shared>> -> memref<128x128xf32, #tpu.memory_space<vmem_shared>>
        %dma_start3A_29 = arith.constant 0 : i32
        %dma_start3A_30 = tpu.memref_slice %arg11[%add3A_26, %dma_start3A_29] : memref<10240x128xf32, #tpu.memory_space<vmem_shared>> -> memref<128x128xf32, #tpu.memory_space<vmem_shared>>
        tpu.enqueue_dma source(%arg10 : memref<128x128xf32, #tpu.memory_space<vmem>>) target(%dma_start3A_30 : memref<128x128xf32, #tpu.memory_space<vmem_shared>>) target_semaphore(%run_scoped3A : memref<!tpu.dma_semaphore, #tpu.memory_space<semaphore_mem>>)
        %dma_wait3A = arith.constant 0 : i32
        %dma_wait3A_31 = tpu.memref_slice %arg11[%add3A_26, %dma_wait3A] : memref<10240x128xf32, #tpu.memory_space<vmem_shared>> -> memref<128x128xf32, #tpu.memory_space<vmem_shared>>
        %dma_wait3A_32 = arith.constant 0 : i32
        %dma_wait3A_33 = tpu.memref_slice %arg11[%add3A_26, %dma_wait3A_32] : memref<10240x128xf32, #tpu.memory_space<vmem_shared>> -> memref<128x128xf32, #tpu.memory_space<vmem_shared>>
        tpu.wait_dma2 semaphore(%run_scoped3A : memref<!tpu.dma_semaphore, #tpu.memory_space<semaphore_mem>>) src(%arg10 : memref<128x128xf32, #tpu.memory_space<vmem>>) dst(%dma_wait3A_33 : memref<128x128xf32, #tpu.memory_space<vmem_shared>>)
        tpu.yield
      }) : () -> ()
    }
    %scan3A_12 = arith.constant 5 : i32
    %barrier3A = arith.constant 0 : index
    tpu.barrier barrier_id(%barrier3A)
    %scan3A_13 = arith.constant 0 : i32
    %scan3A_14 = arith.constant 2 : i32
    %scan3A_15 = arith.addi %scan3A_13, %scan3A_14 : i32
    %scan3A_16 = arith.constant 1 : i32
    scf.for %scan3A_19 = %scan3A_13 to %scan3A_15 step %scan3A_16  : i32 {
      %mul3A_20 = arith.constant 1 : i32
      %mul3A_21 = arith.muli %scan3A_19, %mul3A_20 : i32
      %add3A_22 = arith.constant 0 : i32
      %add3A_23 = arith.addi %add3A_22, %mul3A_21 : i32
      %gt3A = arith.constant 0 : i32
      %gt3A_24 = arith.cmpi sgt, %add3A_23, %gt3A : i32
      %convert_element_type3A = arith.extui %gt3A_24 : i1 to i32
      %cond3A = arith.constant 0 : i32
      %cond3A_25 = arith.cmpi ne, %convert_element_type3A, %cond3A : i32
      scf.if %cond3A_25 {
        %mul3A_31 = arith.constant 40 : i32
        %mul3A_32 = arith.muli %add3A_23, %mul3A_31 : i32
        "tpu.region"() ({
          %run_scoped3A = tpu.sem_alloc : memref<!tpu.dma_semaphore, #tpu.memory_space<semaphore_mem>>
          %dma_start3A_42 = arith.constant 0 : i32
          %dma_start3A_43 = tpu.memref_slice %arg3[%add3A, %mul3A_32, %dma_start3A_42] : memref<32x80x128xi32, #tpu.memory_space<hbm>> -> memref<1x40x128xi32, #tpu.memory_space<hbm>>
          %dma_start3A_44 = tpu.memref_squeeze %dma_start3A_43 : memref<1x40x128xi32, #tpu.memory_space<hbm>> -> memref<40x128xi32, #tpu.memory_space<hbm>>
          %dma_start3A_45 = arith.constant 0 : i32
          %dma_start3A_46 = tpu.memref_slice %arg3[%add3A, %mul3A_32, %dma_start3A_45] : memref<32x80x128xi32, #tpu.memory_space<hbm>> -> memref<1x40x128xi32, #tpu.memory_space<hbm>>
          %dma_start3A_47 = tpu.memref_squeeze %dma_start3A_46 : memref<1x40x128xi32, #tpu.memory_space<hbm>> -> memref<40x128xi32, #tpu.memory_space<hbm>>
          tpu.enqueue_dma source(%dma_start3A_47 : memref<40x128xi32, #tpu.memory_space<hbm>>) target(%arg7 : memref<40x128xi32, #tpu.memory_space<vmem>>) target_semaphore(%run_scoped3A : memref<!tpu.dma_semaphore, #tpu.memory_space<semaphore_mem>>)
          %dma_wait3A = arith.constant 0 : i32
          %dma_wait3A_48 = tpu.memref_slice %arg3[%add3A, %mul3A_32, %dma_wait3A] : memref<32x80x128xi32, #tpu.memory_space<hbm>> -> memref<1x40x128xi32, #tpu.memory_space<hbm>>
          %dma_wait3A_49 = tpu.memref_squeeze %dma_wait3A_48 : memref<1x40x128xi32, #tpu.memory_space<hbm>> -> memref<40x128xi32, #tpu.memory_space<hbm>>
          %dma_wait3A_50 = arith.constant 0 : i32
          %dma_wait3A_51 = tpu.memref_slice %arg3[%add3A, %mul3A_32, %dma_wait3A_50] : memref<32x80x128xi32, #tpu.memory_space<hbm>> -> memref<1x40x128xi32, #tpu.memory_space<hbm>>
          %dma_wait3A_52 = tpu.memref_squeeze %dma_wait3A_51 : memref<1x40x128xi32, #tpu.memory_space<hbm>> -> memref<40x128xi32, #tpu.memory_space<hbm>>
          tpu.wait_dma2 semaphore(%run_scoped3A : memref<!tpu.dma_semaphore, #tpu.memory_space<semaphore_mem>>) src(%dma_wait3A_52 : memref<40x128xi32, #tpu.memory_space<hbm>>) dst(%arg7 : memref<40x128xi32, #tpu.memory_space<vmem>>)
          tpu.yield
        }) : () -> ()
        %mul3A_33 = arith.constant 40 : i32
        %mul3A_34 = arith.muli %add3A_23, %mul3A_33 : i32
        "tpu.region"() ({
          %run_scoped3A = tpu.sem_alloc : memref<!tpu.dma_semaphore, #tpu.memory_space<semaphore_mem>>
          %dma_start3A_42 = arith.constant 0 : i32
          %dma_start3A_43 = tpu.memref_slice %arg4[%add3A, %mul3A_34, %dma_start3A_42] : memref<32x80x128xi32, #tpu.memory_space<hbm>> -> memref<1x40x128xi32, #tpu.memory_space<hbm>>
          %dma_start3A_44 = tpu.memref_squeeze %dma_start3A_43 : memref<1x40x128xi32, #tpu.memory_space<hbm>> -> memref<40x128xi32, #tpu.memory_space<hbm>>
          %dma_start3A_45 = arith.constant 0 : i32
          %dma_start3A_46 = tpu.memref_slice %arg4[%add3A, %mul3A_34, %dma_start3A_45] : memref<32x80x128xi32, #tpu.memory_space<hbm>> -> memref<1x40x128xi32, #tpu.memory_space<hbm>>
          %dma_start3A_47 = tpu.memref_squeeze %dma_start3A_46 : memref<1x40x128xi32, #tpu.memory_space<hbm>> -> memref<40x128xi32, #tpu.memory_space<hbm>>
          tpu.enqueue_dma source(%dma_start3A_47 : memref<40x128xi32, #tpu.memory_space<hbm>>) target(%arg8 : memref<40x128xi32, #tpu.memory_space<vmem>>) target_semaphore(%run_scoped3A : memref<!tpu.dma_semaphore, #tpu.memory_space<semaphore_mem>>)
          %dma_wait3A = arith.constant 0 : i32
          %dma_wait3A_48 = tpu.memref_slice %arg4[%add3A, %mul3A_34, %dma_wait3A] : memref<32x80x128xi32, #tpu.memory_space<hbm>> -> memref<1x40x128xi32, #tpu.memory_space<hbm>>
          %dma_wait3A_49 = tpu.memref_squeeze %dma_wait3A_48 : memref<1x40x128xi32, #tpu.memory_space<hbm>> -> memref<40x128xi32, #tpu.memory_space<hbm>>
          %dma_wait3A_50 = arith.constant 0 : i32
          %dma_wait3A_51 = tpu.memref_slice %arg4[%add3A, %mul3A_34, %dma_wait3A_50] : memref<32x80x128xi32, #tpu.memory_space<hbm>> -> memref<1x40x128xi32, #tpu.memory_space<hbm>>
          %dma_wait3A_52 = tpu.memref_squeeze %dma_wait3A_51 : memref<1x40x128xi32, #tpu.memory_space<hbm>> -> memref<40x128xi32, #tpu.memory_space<hbm>>
          tpu.wait_dma2 semaphore(%run_scoped3A : memref<!tpu.dma_semaphore, #tpu.memory_space<semaphore_mem>>) src(%dma_wait3A_52 : memref<40x128xi32, #tpu.memory_space<hbm>>) dst(%arg8 : memref<40x128xi32, #tpu.memory_space<vmem>>)
          tpu.yield
        }) : () -> ()
        %dma_start3A_35 = arith.constant 0 : i32
        %dma_start3A_36 = arith.constant 0 : i32
        %dma_start3A_37 = tpu.memref_slice %arg7[%dma_start3A_35, %dma_start3A_36] : memref<40x128xi32, #tpu.memory_space<vmem>> -> memref<1x128xi32, #tpu.memory_space<vmem>>
        %dma_start3A_38 = tpu.memref_squeeze %dma_start3A_37 : memref<1x128xi32, #tpu.memory_space<vmem>> -> memref<128xi32, #tpu.memory_space<vmem>>
        %dma_start3A_39 = arith.constant 0 : i32
        %dma_start3A_40 = arith.constant 0 : i32
        %dma_start3A_41 = tpu.memref_slice %arg2[%dma_start3A_39, %dma_start3A_40] : memref<10240x128xf32, #tpu.memory_space<hbm>> -> memref<10240x128xf32, #tpu.memory_space<hbm>>
        tpu.enqueue_indirect_dma source(%dma_start3A_41 : memref<10240x128xf32, #tpu.memory_space<hbm>>) target(%arg9 : memref<128x128xf32, #tpu.memory_space<vmem>>) offsets(%dma_start3A_38 : memref<128xi32, #tpu.memory_space<vmem>>) semaphore(%arg12 : memref<!tpu.dma_semaphore, #tpu.memory_space<semaphore_mem>>)
      } else {
      }
      %scan3A_26 = arith.constant 0 : i32
      %scan3A_27 = arith.constant 20 : i32
      %scan3A_28 = arith.addi %scan3A_26, %scan3A_27 : i32
      %scan3A_29 = arith.constant 1 : i32
      scf.for %scan3A_31 = %scan3A_26 to %scan3A_28 step %scan3A_29  : i32 {
        %mul3A_32 = arith.constant 2 : i32
        %mul3A_33 = arith.muli %scan3A_31, %mul3A_32 : i32
        %add3A_34 = arith.constant 0 : i32
        %add3A_35 = arith.addi %add3A_34, %mul3A_33 : i32
        %dma_wait3A = arith.constant 0 : i32
        %dma_wait3A_36 = arith.constant 0 : i32
        %dma_wait3A_37 = tpu.memref_slice %arg2[%dma_wait3A, %dma_wait3A_36] : memref<10240x128xf32, #tpu.memory_space<hbm>> -> memref<128x128xf32, #tpu.memory_space<hbm>>
        %dma_wait3A_38 = arith.constant 0 : i32
        %dma_wait3A_39 = arith.constant 0 : i32
        %dma_wait3A_40 = tpu.memref_slice %arg2[%dma_wait3A_38, %dma_wait3A_39] : memref<10240x128xf32, #tpu.memory_space<hbm>> -> memref<128x128xf32, #tpu.memory_space<hbm>>
        tpu.wait_dma2 semaphore(%arg12 : memref<!tpu.dma_semaphore, #tpu.memory_space<semaphore_mem>>) src(%dma_wait3A_40 : memref<128x128xf32, #tpu.memory_space<hbm>>) dst(%arg9 : memref<128x128xf32, #tpu.memory_space<vmem>>)
        %add3A_41 = arith.constant 1 : i32
        %add3A_42 = arith.addi %add3A_35, %add3A_41 : i32
        %dma_start3A_43 = arith.constant 0 : i32
        %dma_start3A_44 = tpu.memref_slice %arg7[%add3A_42, %dma_start3A_43] : memref<40x128xi32, #tpu.memory_space<vmem>> -> memref<1x128xi32, #tpu.memory_space<vmem>>
        %dma_start3A_45 = tpu.memref_squeeze %dma_start3A_44 : memref<1x128xi32, #tpu.memory_space<vmem>> -> memref<128xi32, #tpu.memory_space<vmem>>
        %dma_start3A_46 = arith.constant 0 : i32
        %dma_start3A_47 = arith.constant 0 : i32
        %dma_start3A_48 = tpu.memref_slice %arg2[%dma_start3A_46, %dma_start3A_47] : memref<10240x128xf32, #tpu.memory_space<hbm>> -> memref<10240x128xf32, #tpu.memory_space<hbm>>
        tpu.enqueue_indirect_dma source(%dma_start3A_48 : memref<10240x128xf32, #tpu.memory_space<hbm>>) target(%arg10 : memref<128x128xf32, #tpu.memory_space<vmem>>) offsets(%dma_start3A_45 : memref<128xi32, #tpu.memory_space<vmem>>) semaphore(%arg13 : memref<!tpu.dma_semaphore, #tpu.memory_space<semaphore_mem>>)
        "tpu.region"() ({
          %run_scoped3A = tpu.sem_alloc : memref<!tpu.dma_semaphore, #tpu.memory_space<semaphore_mem>>
          %dma_start3A_63 = arith.constant 0 : i32
          %dma_start3A_64 = tpu.memref_slice %arg8[%add3A_35, %dma_start3A_63] : memref<40x128xi32, #tpu.memory_space<vmem>> -> memref<1x128xi32, #tpu.memory_space<vmem>>
          %dma_start3A_65 = tpu.memref_squeeze %dma_start3A_64 : memref<1x128xi32, #tpu.memory_space<vmem>> -> memref<128xi32, #tpu.memory_space<vmem>>
          %dma_start3A_66 = arith.constant 0 : i32
          %dma_start3A_67 = arith.constant 0 : i32
          %dma_start3A_68 = tpu.memref_slice %arg11[%dma_start3A_66, %dma_start3A_67] : memref<10240x128xf32, #tpu.memory_space<vmem_shared>> -> memref<10240x128xf32, #tpu.memory_space<vmem_shared>>
          tpu.enqueue_indirect_dma source(%arg9 : memref<128x128xf32, #tpu.memory_space<vmem>>) target(%dma_start3A_68 : memref<10240x128xf32, #tpu.memory_space<vmem_shared>>) offsets(%dma_start3A_65 : memref<128xi32, #tpu.memory_space<vmem>>) semaphore(%run_scoped3A : memref<!tpu.dma_semaphore, #tpu.memory_space<semaphore_mem>>) {add = true}
          %dma_wait3A_69 = arith.constant 0 : i32
          %dma_wait3A_70 = tpu.memref_slice %arg8[%add3A_35, %dma_wait3A_69] : memref<40x128xi32, #tpu.memory_space<vmem>> -> memref<1x128xi32, #tpu.memory_space<vmem>>
          %dma_wait3A_71 = tpu.memref_squeeze %dma_wait3A_70 : memref<1x128xi32, #tpu.memory_space<vmem>> -> memref<128xi32, #tpu.memory_space<vmem>>
          %dma_wait3A_72 = arith.constant 0 : i32
          %dma_wait3A_73 = arith.constant 0 : i32
          %dma_wait3A_74 = tpu.memref_slice %arg11[%dma_wait3A_72, %dma_wait3A_73] : memref<10240x128xf32, #tpu.memory_space<vmem_shared>> -> memref<10240x128xf32, #tpu.memory_space<vmem_shared>>
          tpu.wait_indirect_dma semaphore(%run_scoped3A : memref<!tpu.dma_semaphore, #tpu.memory_space<semaphore_mem>>) src(%arg9 : memref<128x128xf32, #tpu.memory_space<vmem>>) dst(%dma_wait3A_74 : memref<10240x128xf32, #tpu.memory_space<vmem_shared>>)
          tpu.yield
        }) : () -> ()
        %add3A_49 = arith.constant 2 : i32
        %add3A_50 = arith.addi %add3A_35, %add3A_49 : i32
        %lt3A = arith.constant 40 : i32
        %lt3A_51 = arith.cmpi slt, %add3A_50, %lt3A : i32
        %convert_element_type3A_52 = arith.extui %lt3A_51 : i1 to i32
        %cond3A_53 = arith.constant 0 : i32
        %cond3A_54 = arith.cmpi ne, %convert_element_type3A_52, %cond3A_53 : i32
        scf.if %cond3A_54 {
          %add3A_63 = arith.constant 2 : i32
          %add3A_64 = arith.addi %add3A_35, %add3A_63 : i32
          %dma_start3A_65 = arith.constant 0 : i32
          %dma_start3A_66 = tpu.memref_slice %arg7[%add3A_64, %dma_start3A_65] : memref<40x128xi32, #tpu.memory_space<vmem>> -> memref<1x128xi32, #tpu.memory_space<vmem>>
          %dma_start3A_67 = tpu.memref_squeeze %dma_start3A_66 : memref<1x128xi32, #tpu.memory_space<vmem>> -> memref<128xi32, #tpu.memory_space<vmem>>
          %dma_start3A_68 = arith.constant 0 : i32
          %dma_start3A_69 = arith.constant 0 : i32
          %dma_start3A_70 = tpu.memref_slice %arg2[%dma_start3A_68, %dma_start3A_69] : memref<10240x128xf32, #tpu.memory_space<hbm>> -> memref<10240x128xf32, #tpu.memory_space<hbm>>
          tpu.enqueue_indirect_dma source(%dma_start3A_70 : memref<10240x128xf32, #tpu.memory_space<hbm>>) target(%arg9 : memref<128x128xf32, #tpu.memory_space<vmem>>) offsets(%dma_start3A_67 : memref<128xi32, #tpu.memory_space<vmem>>) semaphore(%arg12 : memref<!tpu.dma_semaphore, #tpu.memory_space<semaphore_mem>>)
        } else {
        }
        %dma_wait3A_55 = arith.constant 0 : i32
        %dma_wait3A_56 = arith.constant 0 : i32
        %dma_wait3A_57 = tpu.memref_slice %arg2[%dma_wait3A_55, %dma_wait3A_56] : memref<10240x128xf32, #tpu.memory_space<hbm>> -> memref<128x128xf32, #tpu.memory_space<hbm>>
        %dma_wait3A_58 = arith.constant 0 : i32
        %dma_wait3A_59 = arith.constant 0 : i32
        %dma_wait3A_60 = tpu.memref_slice %arg2[%dma_wait3A_58, %dma_wait3A_59] : memref<10240x128xf32, #tpu.memory_space<hbm>> -> memref<128x128xf32, #tpu.memory_space<hbm>>
        tpu.wait_dma2 semaphore(%arg13 : memref<!tpu.dma_semaphore, #tpu.memory_space<semaphore_mem>>) src(%dma_wait3A_60 : memref<128x128xf32, #tpu.memory_space<hbm>>) dst(%arg10 : memref<128x128xf32, #tpu.memory_space<vmem>>)
        %add3A_61 = arith.constant 1 : i32
        %add3A_62 = arith.addi %add3A_35, %add3A_61 : i32
        "tpu.region"() ({
          %run_scoped3A = tpu.sem_alloc : memref<!tpu.dma_semaphore, #tpu.memory_space<semaphore_mem>>
          %dma_start3A_63 = arith.constant 0 : i32
          %dma_start3A_64 = tpu.memref_slice %arg8[%add3A_62, %dma_start3A_63] : memref<40x128xi32, #tpu.memory_space<vmem>> -> memref<1x128xi32, #tpu.memory_space<vmem>>
          %dma_start3A_65 = tpu.memref_squeeze %dma_start3A_64 : memref<1x128xi32, #tpu.memory_space<vmem>> -> memref<128xi32, #tpu.memory_space<vmem>>
          %dma_start3A_66 = arith.constant 0 : i32
          %dma_start3A_67 = arith.constant 0 : i32
          %dma_start3A_68 = tpu.memref_slice %arg11[%dma_start3A_66, %dma_start3A_67] : memref<10240x128xf32, #tpu.memory_space<vmem_shared>> -> memref<10240x128xf32, #tpu.memory_space<vmem_shared>>
          tpu.enqueue_indirect_dma source(%arg10 : memref<128x128xf32, #tpu.memory_space<vmem>>) target(%dma_start3A_68 : memref<10240x128xf32, #tpu.memory_space<vmem_shared>>) offsets(%dma_start3A_65 : memref<128xi32, #tpu.memory_space<vmem>>) semaphore(%run_scoped3A : memref<!tpu.dma_semaphore, #tpu.memory_space<semaphore_mem>>) {add = true}
          %dma_wait3A_69 = arith.constant 0 : i32
          %dma_wait3A_70 = tpu.memref_slice %arg8[%add3A_62, %dma_wait3A_69] : memref<40x128xi32, #tpu.memory_space<vmem>> -> memref<1x128xi32, #tpu.memory_space<vmem>>
          %dma_wait3A_71 = tpu.memref_squeeze %dma_wait3A_70 : memref<1x128xi32, #tpu.memory_space<vmem>> -> memref<128xi32, #tpu.memory_space<vmem>>
          %dma_wait3A_72 = arith.constant 0 : i32
          %dma_wait3A_73 = arith.constant 0 : i32
          %dma_wait3A_74 = tpu.memref_slice %arg11[%dma_wait3A_72, %dma_wait3A_73] : memref<10240x128xf32, #tpu.memory_space<vmem_shared>> -> memref<10240x128xf32, #tpu.memory_space<vmem_shared>>
          tpu.wait_indirect_dma semaphore(%run_scoped3A : memref<!tpu.dma_semaphore, #tpu.memory_space<semaphore_mem>>) src(%arg10 : memref<128x128xf32, #tpu.memory_space<vmem>>) dst(%dma_wait3A_74 : memref<10240x128xf32, #tpu.memory_space<vmem_shared>>)
          tpu.yield
        }) : () -> ()
      }
      %scan3A_30 = arith.constant 20 : i32
    }
    %scan3A_17 = arith.constant 2 : i32
    %barrier3A_18 = arith.constant 0 : index
    tpu.barrier barrier_id(%barrier3A_18)
    "tpu.region"() ({
      %run_scoped3A = tpu.sem_alloc : memref<!tpu.dma_semaphore, #tpu.memory_space<semaphore_mem>>
      %dma_start3A_19 = arith.constant 0 : i32
      %dma_start3A_20 = tpu.memref_slice %arg6[%arg0, %mul3A_2, %dma_start3A_19] : memref<2x10240x128xf32, #tpu.memory_space<hbm>> -> memref<1x640x128xf32, #tpu.memory_space<hbm>>
      %dma_start3A_21 = tpu.memref_squeeze %dma_start3A_20 : memref<1x640x128xf32, #tpu.memory_space<hbm>> -> memref<640x128xf32, #tpu.memory_space<hbm>>
      %dma_start3A_22 = arith.constant 0 : i32
      %dma_start3A_23 = tpu.memref_slice %arg11[%mul3A_2, %dma_start3A_22] : memref<10240x128xf32, #tpu.memory_space<vmem_shared>> -> memref<640x128xf32, #tpu.memory_space<vmem_shared>>
      tpu.enqueue_dma source(%dma_start3A_23 : memref<640x128xf32, #tpu.memory_space<vmem_shared>>) target(%dma_start3A_21 : memref<640x128xf32, #tpu.memory_space<hbm>>) target_semaphore(%run_scoped3A : memref<!tpu.dma_semaphore, #tpu.memory_space<semaphore_mem>>)
      %dma_wait3A = arith.constant 0 : i32
      %dma_wait3A_24 = tpu.memref_slice %arg6[%arg0, %mul3A_2, %dma_wait3A] : memref<2x10240x128xf32, #tpu.memory_space<hbm>> -> memref<1x640x128xf32, #tpu.memory_space<hbm>>
      %dma_wait3A_25 = tpu.memref_squeeze %dma_wait3A_24 : memref<1x640x128xf32, #tpu.memory_space<hbm>> -> memref<640x128xf32, #tpu.memory_space<hbm>>
      %dma_wait3A_26 = arith.constant 0 : i32
      %dma_wait3A_27 = tpu.memref_slice %arg11[%mul3A_2, %dma_wait3A_26] : memref<10240x128xf32, #tpu.memory_space<vmem_shared>> -> memref<640x128xf32, #tpu.memory_space<vmem_shared>>
      tpu.wait_dma2 semaphore(%run_scoped3A : memref<!tpu.dma_semaphore, #tpu.memory_space<semaphore_mem>>) src(%dma_wait3A_27 : memref<640x128xf32, #tpu.memory_space<vmem_shared>>) dst(%dma_wait3A_25 : memref<640x128xf32, #tpu.memory_space<hbm>>)
      tpu.yield
    }) : () -> ()
    return
  }
}

#map = affine_map<(d0, d1) -> (0, 0, 0)>
#map1 = affine_map<(d0, d1) -> (0, 0)>
module attributes {stable_mosaic.version = 14 : i64} {
  func.func @_deg_body(%arg0: i32, %arg1: i32, %arg2: memref<32x80x128xi32, #tpu.memory_space<hbm>>, %arg3: memref<32x80x128xi32, #tpu.memory_space<hbm>>, %arg4: memref<128x8xf32, #tpu.memory_space<hbm>>, %arg5: memref<128x8xf32, #tpu.memory_space<hbm>>, %arg6: memref<640x8xf32, #tpu.memory_space<hbm>>, %arg7: memref<2x10240x8xf32, #tpu.memory_space<hbm>>, %arg8: memref<80x128xi32, #tpu.memory_space<vmem>>, %arg9: memref<80x128xi32, #tpu.memory_space<vmem>>, %arg10: memref<128x8xf32, #tpu.memory_space<vmem>>, %arg11: memref<128x8xf32, #tpu.memory_space<vmem>>, %arg12: memref<640x8xf32, #tpu.memory_space<vmem>>, %arg13: memref<10240x8xf32, #tpu.memory_space<vmem_shared>>, %arg14: memref<!tpu.dma_semaphore, #tpu.memory_space<semaphore_mem>>, %arg15: memref<!tpu.dma_semaphore, #tpu.memory_space<semaphore_mem>>) attributes {dimension_semantics = [#tpu.dimension_semantics<core_parallel>, #tpu.dimension_semantics<subcore_parallel>], iteration_bounds = array<i64: 2, 16>, scalar_prefetch = 0 : i64, scratch_operands = 8 : i64, tpu.core_type = #tpu.core_type<sc_vector_subcore>, window_params = [{transform_indices = #map}, {transform_indices = #map}, {transform_indices = #map1}, {transform_indices = #map1}, {transform_indices = #map1}, {transform_indices = #map}]} {
    %mul3A = arith.constant 2 : i32
    %mul3A_0 = arith.muli %arg1, %mul3A : i32
    %add3A = arith.addi %mul3A_0, %arg0 : i32
    %mul3A_1 = arith.constant 640 : i32
    %mul3A_2 = arith.muli %arg1, %mul3A_1 : i32
    "tpu.region"() ({
      %run_scoped3A = tpu.sem_alloc : memref<!tpu.dma_semaphore, #tpu.memory_space<semaphore_mem>>
      tpu.enqueue_dma source(%arg4 : memref<128x8xf32, #tpu.memory_space<hbm>>) target(%arg10 : memref<128x8xf32, #tpu.memory_space<vmem>>) target_semaphore(%run_scoped3A : memref<!tpu.dma_semaphore, #tpu.memory_space<semaphore_mem>>)
      tpu.wait_dma2 semaphore(%run_scoped3A : memref<!tpu.dma_semaphore, #tpu.memory_space<semaphore_mem>>) src(%arg4 : memref<128x8xf32, #tpu.memory_space<hbm>>) dst(%arg10 : memref<128x8xf32, #tpu.memory_space<vmem>>)
      tpu.yield
    }) : () -> ()
    "tpu.region"() ({
      %run_scoped3A = tpu.sem_alloc : memref<!tpu.dma_semaphore, #tpu.memory_space<semaphore_mem>>
      tpu.enqueue_dma source(%arg5 : memref<128x8xf32, #tpu.memory_space<hbm>>) target(%arg11 : memref<128x8xf32, #tpu.memory_space<vmem>>) target_semaphore(%run_scoped3A : memref<!tpu.dma_semaphore, #tpu.memory_space<semaphore_mem>>)
      tpu.wait_dma2 semaphore(%run_scoped3A : memref<!tpu.dma_semaphore, #tpu.memory_space<semaphore_mem>>) src(%arg5 : memref<128x8xf32, #tpu.memory_space<hbm>>) dst(%arg11 : memref<128x8xf32, #tpu.memory_space<vmem>>)
      tpu.yield
    }) : () -> ()
    "tpu.region"() ({
      %run_scoped3A = tpu.sem_alloc : memref<!tpu.dma_semaphore, #tpu.memory_space<semaphore_mem>>
      tpu.enqueue_dma source(%arg6 : memref<640x8xf32, #tpu.memory_space<hbm>>) target(%arg12 : memref<640x8xf32, #tpu.memory_space<vmem>>) target_semaphore(%run_scoped3A : memref<!tpu.dma_semaphore, #tpu.memory_space<semaphore_mem>>)
      tpu.wait_dma2 semaphore(%run_scoped3A : memref<!tpu.dma_semaphore, #tpu.memory_space<semaphore_mem>>) src(%arg6 : memref<640x8xf32, #tpu.memory_space<hbm>>) dst(%arg12 : memref<640x8xf32, #tpu.memory_space<vmem>>)
      tpu.yield
    }) : () -> ()
    "tpu.region"() ({
      %run_scoped3A = tpu.sem_alloc : memref<!tpu.dma_semaphore, #tpu.memory_space<semaphore_mem>>
      %dma_start3A = arith.constant 0 : i32
      %dma_start3A_13 = tpu.memref_slice %arg13[%mul3A_2, %dma_start3A] : memref<10240x8xf32, #tpu.memory_space<vmem_shared>> -> memref<640x8xf32, #tpu.memory_space<vmem_shared>>
      %dma_start3A_14 = arith.constant 0 : i32
      %dma_start3A_15 = tpu.memref_slice %arg13[%mul3A_2, %dma_start3A_14] : memref<10240x8xf32, #tpu.memory_space<vmem_shared>> -> memref<640x8xf32, #tpu.memory_space<vmem_shared>>
      tpu.enqueue_dma source(%arg12 : memref<640x8xf32, #tpu.memory_space<vmem>>) target(%dma_start3A_15 : memref<640x8xf32, #tpu.memory_space<vmem_shared>>) target_semaphore(%run_scoped3A : memref<!tpu.dma_semaphore, #tpu.memory_space<semaphore_mem>>)
      %dma_wait3A = arith.constant 0 : i32
      %dma_wait3A_16 = tpu.memref_slice %arg13[%mul3A_2, %dma_wait3A] : memref<10240x8xf32, #tpu.memory_space<vmem_shared>> -> memref<640x8xf32, #tpu.memory_space<vmem_shared>>
      %dma_wait3A_17 = arith.constant 0 : i32
      %dma_wait3A_18 = tpu.memref_slice %arg13[%mul3A_2, %dma_wait3A_17] : memref<10240x8xf32, #tpu.memory_space<vmem_shared>> -> memref<640x8xf32, #tpu.memory_space<vmem_shared>>
      tpu.wait_dma2 semaphore(%run_scoped3A : memref<!tpu.dma_semaphore, #tpu.memory_space<semaphore_mem>>) src(%arg12 : memref<640x8xf32, #tpu.memory_space<vmem>>) dst(%dma_wait3A_18 : memref<640x8xf32, #tpu.memory_space<vmem_shared>>)
      tpu.yield
    }) : () -> ()
    %barrier3A = arith.constant 0 : index
    tpu.barrier barrier_id(%barrier3A)
    "tpu.region"() ({
      %run_scoped3A = tpu.sem_alloc : memref<!tpu.dma_semaphore, #tpu.memory_space<semaphore_mem>>
      %dma_start3A = arith.constant 0 : i32
      %dma_start3A_13 = arith.constant 0 : i32
      %dma_start3A_14 = tpu.memref_slice %arg2[%add3A, %dma_start3A, %dma_start3A_13] : memref<32x80x128xi32, #tpu.memory_space<hbm>> -> memref<1x80x128xi32, #tpu.memory_space<hbm>>
      %dma_start3A_15 = tpu.memref_squeeze %dma_start3A_14 : memref<1x80x128xi32, #tpu.memory_space<hbm>> -> memref<80x128xi32, #tpu.memory_space<hbm>>
      %dma_start3A_16 = arith.constant 0 : i32
      %dma_start3A_17 = arith.constant 0 : i32
      %dma_start3A_18 = tpu.memref_slice %arg2[%add3A, %dma_start3A_16, %dma_start3A_17] : memref<32x80x128xi32, #tpu.memory_space<hbm>> -> memref<1x80x128xi32, #tpu.memory_space<hbm>>
      %dma_start3A_19 = tpu.memref_squeeze %dma_start3A_18 : memref<1x80x128xi32, #tpu.memory_space<hbm>> -> memref<80x128xi32, #tpu.memory_space<hbm>>
      tpu.enqueue_dma source(%dma_start3A_19 : memref<80x128xi32, #tpu.memory_space<hbm>>) target(%arg8 : memref<80x128xi32, #tpu.memory_space<vmem>>) target_semaphore(%run_scoped3A : memref<!tpu.dma_semaphore, #tpu.memory_space<semaphore_mem>>)
      %dma_wait3A = arith.constant 0 : i32
      %dma_wait3A_20 = arith.constant 0 : i32
      %dma_wait3A_21 = tpu.memref_slice %arg2[%add3A, %dma_wait3A, %dma_wait3A_20] : memref<32x80x128xi32, #tpu.memory_space<hbm>> -> memref<1x80x128xi32, #tpu.memory_space<hbm>>
      %dma_wait3A_22 = tpu.memref_squeeze %dma_wait3A_21 : memref<1x80x128xi32, #tpu.memory_space<hbm>> -> memref<80x128xi32, #tpu.memory_space<hbm>>
      %dma_wait3A_23 = arith.constant 0 : i32
      %dma_wait3A_24 = arith.constant 0 : i32
      %dma_wait3A_25 = tpu.memref_slice %arg2[%add3A, %dma_wait3A_23, %dma_wait3A_24] : memref<32x80x128xi32, #tpu.memory_space<hbm>> -> memref<1x80x128xi32, #tpu.memory_space<hbm>>
      %dma_wait3A_26 = tpu.memref_squeeze %dma_wait3A_25 : memref<1x80x128xi32, #tpu.memory_space<hbm>> -> memref<80x128xi32, #tpu.memory_space<hbm>>
      tpu.wait_dma2 semaphore(%run_scoped3A : memref<!tpu.dma_semaphore, #tpu.memory_space<semaphore_mem>>) src(%dma_wait3A_26 : memref<80x128xi32, #tpu.memory_space<hbm>>) dst(%arg8 : memref<80x128xi32, #tpu.memory_space<vmem>>)
      tpu.yield
    }) : () -> ()
    "tpu.region"() ({
      %run_scoped3A = tpu.sem_alloc : memref<!tpu.dma_semaphore, #tpu.memory_space<semaphore_mem>>
      %dma_start3A = arith.constant 0 : i32
      %dma_start3A_13 = arith.constant 0 : i32
      %dma_start3A_14 = tpu.memref_slice %arg3[%add3A, %dma_start3A, %dma_start3A_13] : memref<32x80x128xi32, #tpu.memory_space<hbm>> -> memref<1x80x128xi32, #tpu.memory_space<hbm>>
      %dma_start3A_15 = tpu.memref_squeeze %dma_start3A_14 : memref<1x80x128xi32, #tpu.memory_space<hbm>> -> memref<80x128xi32, #tpu.memory_space<hbm>>
      %dma_start3A_16 = arith.constant 0 : i32
      %dma_start3A_17 = arith.constant 0 : i32
      %dma_start3A_18 = tpu.memref_slice %arg3[%add3A, %dma_start3A_16, %dma_start3A_17] : memref<32x80x128xi32, #tpu.memory_space<hbm>> -> memref<1x80x128xi32, #tpu.memory_space<hbm>>
      %dma_start3A_19 = tpu.memref_squeeze %dma_start3A_18 : memref<1x80x128xi32, #tpu.memory_space<hbm>> -> memref<80x128xi32, #tpu.memory_space<hbm>>
      tpu.enqueue_dma source(%dma_start3A_19 : memref<80x128xi32, #tpu.memory_space<hbm>>) target(%arg9 : memref<80x128xi32, #tpu.memory_space<vmem>>) target_semaphore(%run_scoped3A : memref<!tpu.dma_semaphore, #tpu.memory_space<semaphore_mem>>)
      %dma_wait3A = arith.constant 0 : i32
      %dma_wait3A_20 = arith.constant 0 : i32
      %dma_wait3A_21 = tpu.memref_slice %arg3[%add3A, %dma_wait3A, %dma_wait3A_20] : memref<32x80x128xi32, #tpu.memory_space<hbm>> -> memref<1x80x128xi32, #tpu.memory_space<hbm>>
      %dma_wait3A_22 = tpu.memref_squeeze %dma_wait3A_21 : memref<1x80x128xi32, #tpu.memory_space<hbm>> -> memref<80x128xi32, #tpu.memory_space<hbm>>
      %dma_wait3A_23 = arith.constant 0 : i32
      %dma_wait3A_24 = arith.constant 0 : i32
      %dma_wait3A_25 = tpu.memref_slice %arg3[%add3A, %dma_wait3A_23, %dma_wait3A_24] : memref<32x80x128xi32, #tpu.memory_space<hbm>> -> memref<1x80x128xi32, #tpu.memory_space<hbm>>
      %dma_wait3A_26 = tpu.memref_squeeze %dma_wait3A_25 : memref<1x80x128xi32, #tpu.memory_space<hbm>> -> memref<80x128xi32, #tpu.memory_space<hbm>>
      tpu.wait_dma2 semaphore(%run_scoped3A : memref<!tpu.dma_semaphore, #tpu.memory_space<semaphore_mem>>) src(%dma_wait3A_26 : memref<80x128xi32, #tpu.memory_space<hbm>>) dst(%arg9 : memref<80x128xi32, #tpu.memory_space<vmem>>)
      tpu.yield
    }) : () -> ()
    %scan3A = arith.constant 0 : i32
    %scan3A_3 = arith.constant 80 : i32
    %scan3A_4 = arith.addi %scan3A, %scan3A_3 : i32
    %scan3A_5 = arith.constant 1 : i32
    scf.for %scan3A_13 = %scan3A to %scan3A_4 step %scan3A_5  : i32 {
      %mul3A_14 = arith.constant 1 : i32
      %mul3A_15 = arith.muli %scan3A_13, %mul3A_14 : i32
      %add3A_16 = arith.constant 0 : i32
      %add3A_17 = arith.addi %add3A_16, %mul3A_15 : i32
      %dma_start3A = arith.constant 0 : i32
      %dma_start3A_18 = tpu.memref_slice %arg8[%add3A_17, %dma_start3A] : memref<80x128xi32, #tpu.memory_space<vmem>> -> memref<1x128xi32, #tpu.memory_space<vmem>>
      %dma_start3A_19 = tpu.memref_squeeze %dma_start3A_18 : memref<1x128xi32, #tpu.memory_space<vmem>> -> memref<128xi32, #tpu.memory_space<vmem>>
      %dma_start3A_20 = arith.constant 0 : i32
      %dma_start3A_21 = arith.constant 0 : i32
      %dma_start3A_22 = tpu.memref_slice %arg13[%dma_start3A_20, %dma_start3A_21] : memref<10240x8xf32, #tpu.memory_space<vmem_shared>> -> memref<10240x8xf32, #tpu.memory_space<vmem_shared>>
      tpu.enqueue_indirect_dma source(%arg10 : memref<128x8xf32, #tpu.memory_space<vmem>>) target(%dma_start3A_22 : memref<10240x8xf32, #tpu.memory_space<vmem_shared>>) offsets(%dma_start3A_19 : memref<128xi32, #tpu.memory_space<vmem>>) semaphore(%arg14 : memref<!tpu.dma_semaphore, #tpu.memory_space<semaphore_mem>>) {add = true}
      %dma_start3A_23 = arith.constant 0 : i32
      %dma_start3A_24 = tpu.memref_slice %arg9[%add3A_17, %dma_start3A_23] : memref<80x128xi32, #tpu.memory_space<vmem>> -> memref<1x128xi32, #tpu.memory_space<vmem>>
      %dma_start3A_25 = tpu.memref_squeeze %dma_start3A_24 : memref<1x128xi32, #tpu.memory_space<vmem>> -> memref<128xi32, #tpu.memory_space<vmem>>
      %dma_start3A_26 = arith.constant 0 : i32
      %dma_start3A_27 = arith.constant 0 : i32
      %dma_start3A_28 = tpu.memref_slice %arg13[%dma_start3A_26, %dma_start3A_27] : memref<10240x8xf32, #tpu.memory_space<vmem_shared>> -> memref<10240x8xf32, #tpu.memory_space<vmem_shared>>
      tpu.enqueue_indirect_dma source(%arg11 : memref<128x8xf32, #tpu.memory_space<vmem>>) target(%dma_start3A_28 : memref<10240x8xf32, #tpu.memory_space<vmem_shared>>) offsets(%dma_start3A_25 : memref<128xi32, #tpu.memory_space<vmem>>) semaphore(%arg15 : memref<!tpu.dma_semaphore, #tpu.memory_space<semaphore_mem>>) {add = true}
    }
    %scan3A_6 = arith.constant 80 : i32
    %scan3A_7 = arith.constant 0 : i32
    %scan3A_8 = arith.constant 80 : i32
    %scan3A_9 = arith.addi %scan3A_7, %scan3A_8 : i32
    %scan3A_10 = arith.constant 1 : i32
    scf.for %scan3A_13 = %scan3A_7 to %scan3A_9 step %scan3A_10  : i32 {
      %mul3A_14 = arith.constant 1 : i32
      %mul3A_15 = arith.muli %scan3A_13, %mul3A_14 : i32
      %add3A_16 = arith.constant 0 : i32
      %add3A_17 = arith.addi %add3A_16, %mul3A_15 : i32
      %dma_wait3A = arith.constant 0 : i32
      %dma_wait3A_18 = arith.constant 0 : i32
      %dma_wait3A_19 = tpu.memref_slice %arg13[%dma_wait3A, %dma_wait3A_18] : memref<10240x8xf32, #tpu.memory_space<vmem_shared>> -> memref<128x8xf32, #tpu.memory_space<vmem_shared>>
      %dma_wait3A_20 = arith.constant 0 : i32
      %dma_wait3A_21 = arith.constant 0 : i32
      %dma_wait3A_22 = tpu.memref_slice %arg13[%dma_wait3A_20, %dma_wait3A_21] : memref<10240x8xf32, #tpu.memory_space<vmem_shared>> -> memref<128x8xf32, #tpu.memory_space<vmem_shared>>
      tpu.wait_dma2 semaphore(%arg14 : memref<!tpu.dma_semaphore, #tpu.memory_space<semaphore_mem>>) src(%arg10 : memref<128x8xf32, #tpu.memory_space<vmem>>) dst(%dma_wait3A_22 : memref<128x8xf32, #tpu.memory_space<vmem_shared>>)
      %dma_wait3A_23 = arith.constant 0 : i32
      %dma_wait3A_24 = arith.constant 0 : i32
      %dma_wait3A_25 = tpu.memref_slice %arg13[%dma_wait3A_23, %dma_wait3A_24] : memref<10240x8xf32, #tpu.memory_space<vmem_shared>> -> memref<128x8xf32, #tpu.memory_space<vmem_shared>>
      %dma_wait3A_26 = arith.constant 0 : i32
      %dma_wait3A_27 = arith.constant 0 : i32
      %dma_wait3A_28 = tpu.memref_slice %arg13[%dma_wait3A_26, %dma_wait3A_27] : memref<10240x8xf32, #tpu.memory_space<vmem_shared>> -> memref<128x8xf32, #tpu.memory_space<vmem_shared>>
      tpu.wait_dma2 semaphore(%arg15 : memref<!tpu.dma_semaphore, #tpu.memory_space<semaphore_mem>>) src(%arg11 : memref<128x8xf32, #tpu.memory_space<vmem>>) dst(%dma_wait3A_28 : memref<128x8xf32, #tpu.memory_space<vmem_shared>>)
    }
    %scan3A_11 = arith.constant 80 : i32
    %barrier3A_12 = arith.constant 0 : index
    tpu.barrier barrier_id(%barrier3A_12)
    "tpu.region"() ({
      %run_scoped3A = tpu.sem_alloc : memref<!tpu.dma_semaphore, #tpu.memory_space<semaphore_mem>>
      %dma_start3A = arith.constant 0 : i32
      %dma_start3A_13 = tpu.memref_slice %arg7[%arg0, %mul3A_2, %dma_start3A] : memref<2x10240x8xf32, #tpu.memory_space<hbm>> -> memref<1x640x8xf32, #tpu.memory_space<hbm>>
      %dma_start3A_14 = tpu.memref_squeeze %dma_start3A_13 : memref<1x640x8xf32, #tpu.memory_space<hbm>> -> memref<640x8xf32, #tpu.memory_space<hbm>>
      %dma_start3A_15 = arith.constant 0 : i32
      %dma_start3A_16 = tpu.memref_slice %arg13[%mul3A_2, %dma_start3A_15] : memref<10240x8xf32, #tpu.memory_space<vmem_shared>> -> memref<640x8xf32, #tpu.memory_space<vmem_shared>>
      tpu.enqueue_dma source(%dma_start3A_16 : memref<640x8xf32, #tpu.memory_space<vmem_shared>>) target(%dma_start3A_14 : memref<640x8xf32, #tpu.memory_space<hbm>>) target_semaphore(%run_scoped3A : memref<!tpu.dma_semaphore, #tpu.memory_space<semaphore_mem>>)
      %dma_wait3A = arith.constant 0 : i32
      %dma_wait3A_17 = tpu.memref_slice %arg7[%arg0, %mul3A_2, %dma_wait3A] : memref<2x10240x8xf32, #tpu.memory_space<hbm>> -> memref<1x640x8xf32, #tpu.memory_space<hbm>>
      %dma_wait3A_18 = tpu.memref_squeeze %dma_wait3A_17 : memref<1x640x8xf32, #tpu.memory_space<hbm>> -> memref<640x8xf32, #tpu.memory_space<hbm>>
      %dma_wait3A_19 = arith.constant 0 : i32
      %dma_wait3A_20 = tpu.memref_slice %arg13[%mul3A_2, %dma_wait3A_19] : memref<10240x8xf32, #tpu.memory_space<vmem_shared>> -> memref<640x8xf32, #tpu.memory_space<vmem_shared>>
      tpu.wait_dma2 semaphore(%run_scoped3A : memref<!tpu.dma_semaphore, #tpu.memory_space<semaphore_mem>>) src(%dma_wait3A_20 : memref<640x8xf32, #tpu.memory_space<vmem_shared>>) dst(%dma_wait3A_18 : memref<640x8xf32, #tpu.memory_space<hbm>>)
      tpu.yield
    }) : () -> ()
    return
  }
}

module attributes {stable_mosaic.version = 14 : i64} {
  func.func @_mid_body(%arg0: i32, %arg1: memref<1x2048x128xf32, #tpu.memory_space<vmem>>, %arg2: memref<1x2048x128xf32, #tpu.memory_space<vmem>>, %arg3: memref<1x2048x8xf32, #tpu.memory_space<vmem>>, %arg4: memref<1x2048x8xf32, #tpu.memory_space<vmem>>, %arg5: memref<128x128xf32, #tpu.memory_space<vmem>>, %arg6: memref<1x128xf32, #tpu.memory_space<vmem>>, %arg7: memref<2048x128xf32, #tpu.memory_space<vmem>>) attributes {dimension_semantics = [#tpu.dimension_semantics<arbitrary>], iteration_bounds = array<i64: 5>, scalar_prefetch = 0 : i64, scratch_operands = 0 : i64, tpu.core_type = #tpu.core_type<tc>, window_params = [{transform_indices = @transform_0, window_bounds = array<i64: 1, 2048, 128>}, {transform_indices = @transform_1, window_bounds = array<i64: 1, 2048, 128>}, {transform_indices = @transform_2, window_bounds = array<i64: 1, 2048, 8>}, {transform_indices = @transform_3, window_bounds = array<i64: 1, 2048, 8>}, {pipeline_mode = #tpu.pipeline_mode<synchronous>, transform_indices = @transform_4, window_bounds = array<i64: 128, 128>}, {pipeline_mode = #tpu.pipeline_mode<synchronous>, transform_indices = @transform_5, window_bounds = array<i64: 1, 128>}, {transform_indices = @transform_6, window_bounds = array<i64: 2048, 128>}]} {
    %get3A = arith.constant 0 : index
    %get3A_0 = arith.constant 0 : index
    %get3A_1 = arith.constant 0 : index
    %get3A_2 = vector.load %arg3[%get3A, %get3A_0, %get3A_1] : memref<1x2048x8xf32, #tpu.memory_space<vmem>>, vector<1x2048x8xf32>
    %squeeze3A = vector.shape_cast %get3A_2 : vector<1x2048x8xf32> to vector<2048x8xf32>
    %get3A_3 = arith.constant 0 : index
    %get3A_4 = arith.constant 0 : index
    %get3A_5 = arith.constant 0 : index
    %get3A_6 = vector.load %arg4[%get3A_3, %get3A_4, %get3A_5] : memref<1x2048x8xf32, #tpu.memory_space<vmem>>, vector<1x2048x8xf32>
    %squeeze3A_7 = vector.shape_cast %get3A_6 : vector<1x2048x8xf32> to vector<2048x8xf32>
    %add3A = arith.addf %squeeze3A, %squeeze3A_7 : vector<2048x8xf32>
    %slice3A = vector.extract_strided_slice %add3A {offsets = [0, 0], sizes = [2048, 1], strides = [1, 1]} : vector<2048x8xf32> to vector<2048x1xf32>
    %gt3A = arith.constant 0.000000e+00 : f32
    %gt3A_8 = vector.broadcast %gt3A : f32 to vector<2048x1xf32>
    %gt3A_9 = arith.cmpf ogt, %slice3A, %gt3A_8 : vector<2048x1xf32>
    %max3A = arith.constant 9.99999996E-13 : f32
    %max3A_10 = vector.broadcast %max3A : f32 to vector<2048x1xf32>
    %max3A_11 = arith.maximumf %slice3A, %max3A_10 : vector<2048x1xf32>
    %rsqrt3A = math.rsqrt %max3A_11 : vector<2048x1xf32>
    %jit3A = arith.constant 0.000000e+00 : f32
    %broadcast_in_dim3A = vector.broadcast %jit3A : f32 to vector<2048x1xf32>
    %select_n3A = arith.select %gt3A_9, %rsqrt3A, %broadcast_in_dim3A : vector<2048x1xi1>, vector<2048x1xf32>
    %slice3A_12 = vector.extract_strided_slice %add3A {offsets = [0, 4], sizes = [2048, 1], strides = [1, 1]} : vector<2048x8xf32> to vector<2048x1xf32>
    %gt3A_13 = arith.constant 0.000000e+00 : f32
    %gt3A_14 = vector.broadcast %gt3A_13 : f32 to vector<2048x1xf32>
    %gt3A_15 = arith.cmpf ogt, %slice3A_12, %gt3A_14 : vector<2048x1xf32>
    %max3A_16 = arith.constant 9.99999996E-13 : f32
    %max3A_17 = vector.broadcast %max3A_16 : f32 to vector<2048x1xf32>
    %max3A_18 = arith.maximumf %slice3A_12, %max3A_17 : vector<2048x1xf32>
    %rsqrt3A_19 = math.rsqrt %max3A_18 : vector<2048x1xf32>
    %jit3A_20 = arith.constant 0.000000e+00 : f32
    %broadcast_in_dim3A_21 = vector.broadcast %jit3A_20 : f32 to vector<2048x1xf32>
    %select_n3A_22 = arith.select %gt3A_15, %rsqrt3A_19, %broadcast_in_dim3A_21 : vector<2048x1xi1>, vector<2048x1xf32>
    %get3A_23 = arith.constant 0 : index
    %get3A_24 = arith.constant 0 : index
    %get3A_25 = arith.constant 0 : index
    %get3A_26 = vector.load %arg1[%get3A_23, %get3A_24, %get3A_25] : memref<1x2048x128xf32, #tpu.memory_space<vmem>>, vector<1x2048x128xf32>
    %squeeze3A_27 = vector.shape_cast %get3A_26 : vector<1x2048x128xf32> to vector<2048x128xf32>
    %get3A_28 = arith.constant 0 : index
    %get3A_29 = arith.constant 0 : index
    %get3A_30 = arith.constant 0 : index
    %get3A_31 = vector.load %arg2[%get3A_28, %get3A_29, %get3A_30] : memref<1x2048x128xf32, #tpu.memory_space<vmem>>, vector<1x2048x128xf32>
    %squeeze3A_32 = vector.shape_cast %get3A_31 : vector<1x2048x128xf32> to vector<2048x128xf32>
    %add3A_33 = arith.addf %squeeze3A_27, %squeeze3A_32 : vector<2048x128xf32>
    %mul3A = vector.broadcast %select_n3A_22 : vector<2048x1xf32> to vector<2048x128xf32>
    %mul3A_34 = arith.mulf %add3A_33, %mul3A : vector<2048x128xf32>
    %get3A_35 = arith.constant 0 : index
    %get3A_36 = arith.constant 0 : index
    %get3A_37 = vector.load %arg6[%get3A_35, %get3A_36] : memref<1x128xf32, #tpu.memory_space<vmem>>, vector<1x128xf32>
    %add3A_38 = vector.broadcast %get3A_37 : vector<1x128xf32> to vector<2048x128xf32>
    %add3A_39 = arith.addf %mul3A_34, %add3A_38 : vector<2048x128xf32>
    %max3A_40 = arith.constant 0.000000e+00 : f32
    %max3A_41 = vector.broadcast %max3A_40 : f32 to vector<2048x128xf32>
    %max3A_42 = arith.maximumf %add3A_39, %max3A_41 : vector<2048x128xf32>
    %get3A_43 = arith.constant 0 : index
    %get3A_44 = arith.constant 0 : index
    %get3A_45 = vector.load %arg5[%get3A_43, %get3A_44] : memref<128x128xf32, #tpu.memory_space<vmem>>, vector<128x128xf32>
    %dot_general3A = arith.constant dense<0.000000e+00> : vector<2048x128xf32>
    %dot_general3A_46 = tpu.matmul %max3A_42, %get3A_45, %dot_general3A {dimension_numbers = #tpu.dot_dimension_numbers<[1], [0], [0], [1], [0, 0, 1, 1], [], []>, transpose_lhs_hint = false} : vector<2048x128xf32>, vector<128x128xf32>, vector<2048x128xf32> -> vector<2048x128xf32>
    %mul3A_47 = vector.broadcast %select_n3A : vector<2048x1xf32> to vector<2048x128xf32>
    %mul3A_48 = arith.mulf %dot_general3A_46, %mul3A_47 : vector<2048x128xf32>
    %swap3A = arith.constant 0 : index
    %swap3A_49 = arith.constant 0 : index
    %swap3A_50 = vector.load %arg7[%swap3A, %swap3A_49] : memref<2048x128xf32, #tpu.memory_space<vmem>>, vector<2048x128xf32>
    tpu.vector_store %arg7[%swap3A, %swap3A_49], %mul3A_48 {strides = array<i32>} : memref<2048x128xf32, #tpu.memory_space<vmem>>, vector<2048x128xf32>,
    return
  }
  func.func @transform_0(%arg0: i32) -> (i32, i32, i32) {
    %c0_i32 = arith.constant 0 : i32
    %c0_i32_0 = arith.constant 0 : i32
    %c0_i32_1 = arith.constant 0 : i32
    return %c0_i32, %arg0, %c0_i32_0 : i32, i32, i32
  }
  func.func @transform_1(%arg0: i32) -> (i32, i32, i32) {
    %c1_i32 = arith.constant 1 : i32
    %c0_i32 = arith.constant 0 : i32
    %c0_i32_0 = arith.constant 0 : i32
    return %c1_i32, %arg0, %c0_i32 : i32, i32, i32
  }
  func.func @transform_2(%arg0: i32) -> (i32, i32, i32) {
    %c0_i32 = arith.constant 0 : i32
    %c0_i32_0 = arith.constant 0 : i32
    %c0_i32_1 = arith.constant 0 : i32
    return %c0_i32, %arg0, %c0_i32_0 : i32, i32, i32
  }
  func.func @transform_3(%arg0: i32) -> (i32, i32, i32) {
    %c1_i32 = arith.constant 1 : i32
    %c0_i32 = arith.constant 0 : i32
    %c0_i32_0 = arith.constant 0 : i32
    return %c1_i32, %arg0, %c0_i32 : i32, i32, i32
  }
  func.func @transform_4(%arg0: i32) -> (i32, i32) {
    %c0_i32 = arith.constant 0 : i32
    %c0_i32_0 = arith.constant 0 : i32
    %c0_i32_1 = arith.constant 0 : i32
    return %c0_i32, %c0_i32_0 : i32, i32
  }
  func.func @transform_5(%arg0: i32) -> (i32, i32) {
    %c0_i32 = arith.constant 0 : i32
    %c0_i32_0 = arith.constant 0 : i32
    %c0_i32_1 = arith.constant 0 : i32
    return %c0_i32, %c0_i32_0 : i32, i32
  }
  func.func @transform_6(%arg0: i32) -> (i32, i32) {
    %c0_i32 = arith.constant 0 : i32
    %c0_i32_0 = arith.constant 0 : i32
    return %arg0, %c0_i32 : i32, i32
  }
}

module attributes {stable_mosaic.version = 14 : i64} {
  func.func @_prep_body(%arg0: i32, %arg1: memref<2048x128xf32, #tpu.memory_space<vmem>>, %arg2: memref<128x128xf32, #tpu.memory_space<vmem>>, %arg3: memref<1x2048x8xf32, #tpu.memory_space<vmem>>, %arg4: memref<1x2048x8xf32, #tpu.memory_space<vmem>>, %arg5: memref<2048x128xf32, #tpu.memory_space<vmem>>) attributes {dimension_semantics = [#tpu.dimension_semantics<arbitrary>], iteration_bounds = array<i64: 5>, scalar_prefetch = 0 : i64, scratch_operands = 0 : i64, tpu.core_type = #tpu.core_type<tc>, window_params = [{transform_indices = @transform_0, window_bounds = array<i64: 2048, 128>}, {pipeline_mode = #tpu.pipeline_mode<synchronous>, transform_indices = @transform_1, window_bounds = array<i64: 128, 128>}, {transform_indices = @transform_2, window_bounds = array<i64: 1, 2048, 8>}, {transform_indices = @transform_3, window_bounds = array<i64: 1, 2048, 8>}, {transform_indices = @transform_4, window_bounds = array<i64: 2048, 128>}]} {
    %get3A = arith.constant 0 : index
    %get3A_0 = arith.constant 0 : index
    %get3A_1 = arith.constant 0 : index
    %get3A_2 = vector.load %arg3[%get3A, %get3A_0, %get3A_1] : memref<1x2048x8xf32, #tpu.memory_space<vmem>>, vector<1x2048x8xf32>
    %squeeze3A = vector.shape_cast %get3A_2 : vector<1x2048x8xf32> to vector<2048x8xf32>
    %get3A_3 = arith.constant 0 : index
    %get3A_4 = arith.constant 0 : index
    %get3A_5 = arith.constant 0 : index
    %get3A_6 = vector.load %arg4[%get3A_3, %get3A_4, %get3A_5] : memref<1x2048x8xf32, #tpu.memory_space<vmem>>, vector<1x2048x8xf32>
    %squeeze3A_7 = vector.shape_cast %get3A_6 : vector<1x2048x8xf32> to vector<2048x8xf32>
    %add3A = arith.addf %squeeze3A, %squeeze3A_7 : vector<2048x8xf32>
    %slice3A = vector.extract_strided_slice %add3A {offsets = [0, 0], sizes = [2048, 1], strides = [1, 1]} : vector<2048x8xf32> to vector<2048x1xf32>
    %gt3A = arith.constant 0.000000e+00 : f32
    %gt3A_8 = vector.broadcast %gt3A : f32 to vector<2048x1xf32>
    %gt3A_9 = arith.cmpf ogt, %slice3A, %gt3A_8 : vector<2048x1xf32>
    %max3A = arith.constant 9.99999996E-13 : f32
    %max3A_10 = vector.broadcast %max3A : f32 to vector<2048x1xf32>
    %max3A_11 = arith.maximumf %slice3A, %max3A_10 : vector<2048x1xf32>
    %rsqrt3A = math.rsqrt %max3A_11 : vector<2048x1xf32>
    %jit3A = arith.constant 0.000000e+00 : f32
    %broadcast_in_dim3A = vector.broadcast %jit3A : f32 to vector<2048x1xf32>
    %select_n3A = arith.select %gt3A_9, %rsqrt3A, %broadcast_in_dim3A : vector<2048x1xi1>, vector<2048x1xf32>
    %get3A_12 = arith.constant 0 : index
    %get3A_13 = arith.constant 0 : index
    %get3A_14 = vector.load %arg1[%get3A_12, %get3A_13] : memref<2048x128xf32, #tpu.memory_space<vmem>>, vector<2048x128xf32>
    %get3A_15 = arith.constant 0 : index
    %get3A_16 = arith.constant 0 : index
    %get3A_17 = vector.load %arg2[%get3A_15, %get3A_16] : memref<128x128xf32, #tpu.memory_space<vmem>>, vector<128x128xf32>
    %dot_general3A = arith.constant dense<0.000000e+00> : vector<2048x128xf32>
    %dot_general3A_18 = tpu.matmul %get3A_14, %get3A_17, %dot_general3A {dimension_numbers = #tpu.dot_dimension_numbers<[1], [0], [0], [1], [0, 0, 1, 1], [], []>, transpose_lhs_hint = false} : vector<2048x128xf32>, vector<128x128xf32>, vector<2048x128xf32> -> vector<2048x128xf32>
    %mul3A = vector.broadcast %select_n3A : vector<2048x1xf32> to vector<2048x128xf32>
    %mul3A_19 = arith.mulf %dot_general3A_18, %mul3A : vector<2048x128xf32>
    %swap3A = arith.constant 0 : index
    %swap3A_20 = arith.constant 0 : index
    %swap3A_21 = vector.load %arg5[%swap3A, %swap3A_20] : memref<2048x128xf32, #tpu.memory_space<vmem>>, vector<2048x128xf32>
    tpu.vector_store %arg5[%swap3A, %swap3A_20], %mul3A_19 {strides = array<i32>} : memref<2048x128xf32, #tpu.memory_space<vmem>>, vector<2048x128xf32>,
    return
  }
  func.func @transform_0(%arg0: i32) -> (i32, i32) {
    %c0_i32 = arith.constant 0 : i32
    %c0_i32_0 = arith.constant 0 : i32
    return %arg0, %c0_i32 : i32, i32
  }
  func.func @transform_1(%arg0: i32) -> (i32, i32) {
    %c0_i32 = arith.constant 0 : i32
    %c0_i32_0 = arith.constant 0 : i32
    %c0_i32_1 = arith.constant 0 : i32
    return %c0_i32, %c0_i32_0 : i32, i32
  }
  func.func @transform_2(%arg0: i32) -> (i32, i32, i32) {
    %c0_i32 = arith.constant 0 : i32
    %c0_i32_0 = arith.constant 0 : i32
    %c0_i32_1 = arith.constant 0 : i32
    return %c0_i32, %arg0, %c0_i32_0 : i32, i32, i32
  }
  func.func @transform_3(%arg0: i32) -> (i32, i32, i32) {
    %c1_i32 = arith.constant 1 : i32
    %c0_i32 = arith.constant 0 : i32
    %c0_i32_0 = arith.constant 0 : i32
    return %c1_i32, %arg0, %c0_i32 : i32, i32, i32
  }
  func.func @transform_4(%arg0: i32) -> (i32, i32) {
    %c0_i32 = arith.constant 0 : i32
    %c0_i32_0 = arith.constant 0 : i32
    return %arg0, %c0_i32 : i32, i32
  }
}

module attributes {stable_mosaic.version = 14 : i64} {
  func.func @_final_body(%arg0: i32, %arg1: memref<1x2048x128xf32, #tpu.memory_space<vmem>>, %arg2: memref<1x2048x128xf32, #tpu.memory_space<vmem>>, %arg3: memref<1x2048x8xf32, #tpu.memory_space<vmem>>, %arg4: memref<1x2048x8xf32, #tpu.memory_space<vmem>>, %arg5: memref<1x128xf32, #tpu.memory_space<vmem>>, %arg6: memref<1x128xf32, #tpu.memory_space<vmem>>) attributes {dimension_semantics = [#tpu.dimension_semantics<arbitrary>], iteration_bounds = array<i64: 5>, scalar_prefetch = 0 : i64, scratch_operands = 0 : i64, tpu.core_type = #tpu.core_type<tc>, window_params = [{transform_indices = @transform_0, window_bounds = array<i64: 1, 2048, 128>}, {transform_indices = @transform_1, window_bounds = array<i64: 1, 2048, 128>}, {transform_indices = @transform_2, window_bounds = array<i64: 1, 2048, 8>}, {transform_indices = @transform_3, window_bounds = array<i64: 1, 2048, 8>}, {pipeline_mode = #tpu.pipeline_mode<synchronous>, transform_indices = @transform_4, window_bounds = array<i64: 1, 128>}, {pipeline_mode = #tpu.pipeline_mode<synchronous>, transform_indices = @transform_5, window_bounds = array<i64: 1, 128>}]} {
    %get3A = arith.constant 0 : index
    %get3A_0 = arith.constant 0 : index
    %get3A_1 = arith.constant 0 : index
    %get3A_2 = vector.load %arg3[%get3A, %get3A_0, %get3A_1] : memref<1x2048x8xf32, #tpu.memory_space<vmem>>, vector<1x2048x8xf32>
    %squeeze3A = vector.shape_cast %get3A_2 : vector<1x2048x8xf32> to vector<2048x8xf32>
    %get3A_3 = arith.constant 0 : index
    %get3A_4 = arith.constant 0 : index
    %get3A_5 = arith.constant 0 : index
    %get3A_6 = vector.load %arg4[%get3A_3, %get3A_4, %get3A_5] : memref<1x2048x8xf32, #tpu.memory_space<vmem>>, vector<1x2048x8xf32>
    %squeeze3A_7 = vector.shape_cast %get3A_6 : vector<1x2048x8xf32> to vector<2048x8xf32>
    %add3A = arith.addf %squeeze3A, %squeeze3A_7 : vector<2048x8xf32>
    %slice3A = vector.extract_strided_slice %add3A {offsets = [0, 4], sizes = [2048, 1], strides = [1, 1]} : vector<2048x8xf32> to vector<2048x1xf32>
    %gt3A = arith.constant 0.000000e+00 : f32
    %gt3A_8 = vector.broadcast %gt3A : f32 to vector<2048x1xf32>
    %gt3A_9 = arith.cmpf ogt, %slice3A, %gt3A_8 : vector<2048x1xf32>
    %max3A = arith.constant 9.99999996E-13 : f32
    %max3A_10 = vector.broadcast %max3A : f32 to vector<2048x1xf32>
    %max3A_11 = arith.maximumf %slice3A, %max3A_10 : vector<2048x1xf32>
    %rsqrt3A = math.rsqrt %max3A_11 : vector<2048x1xf32>
    %jit3A = arith.constant 0.000000e+00 : f32
    %broadcast_in_dim3A = vector.broadcast %jit3A : f32 to vector<2048x1xf32>
    %select_n3A = arith.select %gt3A_9, %rsqrt3A, %broadcast_in_dim3A : vector<2048x1xi1>, vector<2048x1xf32>
    %get3A_12 = arith.constant 0 : index
    %get3A_13 = arith.constant 0 : index
    %get3A_14 = arith.constant 0 : index
    %get3A_15 = vector.load %arg1[%get3A_12, %get3A_13, %get3A_14] : memref<1x2048x128xf32, #tpu.memory_space<vmem>>, vector<1x2048x128xf32>
    %squeeze3A_16 = vector.shape_cast %get3A_15 : vector<1x2048x128xf32> to vector<2048x128xf32>
    %get3A_17 = arith.constant 0 : index
    %get3A_18 = arith.constant 0 : index
    %get3A_19 = arith.constant 0 : index
    %get3A_20 = vector.load %arg2[%get3A_17, %get3A_18, %get3A_19] : memref<1x2048x128xf32, #tpu.memory_space<vmem>>, vector<1x2048x128xf32>
    %squeeze3A_21 = vector.shape_cast %get3A_20 : vector<1x2048x128xf32> to vector<2048x128xf32>
    %add3A_22 = arith.addf %squeeze3A_16, %squeeze3A_21 : vector<2048x128xf32>
    %mul3A = vector.broadcast %select_n3A : vector<2048x1xf32> to vector<2048x128xf32>
    %mul3A_23 = arith.mulf %add3A_22, %mul3A : vector<2048x128xf32>
    %get3A_24 = arith.constant 0 : index
    %get3A_25 = arith.constant 0 : index
    %get3A_26 = vector.load %arg5[%get3A_24, %get3A_25] : memref<1x128xf32, #tpu.memory_space<vmem>>, vector<1x128xf32>
    %add3A_27 = vector.broadcast %get3A_26 : vector<1x128xf32> to vector<2048x128xf32>
    %add3A_28 = arith.addf %mul3A_23, %add3A_27 : vector<2048x128xf32>
    %max3A_29 = arith.constant 0.000000e+00 : f32
    %max3A_30 = vector.broadcast %max3A_29 : f32 to vector<2048x128xf32>
    %max3A_31 = arith.maximumf %add3A_28, %max3A_30 : vector<2048x128xf32>
    %iota3A = tpu.iota {dimensions = array<i32: 0>} : vector<2048x1xi32>
    %mul3A_32 = arith.constant 2048 : i32
    %mul3A_33 = arith.muli %arg0, %mul3A_32 : i32
    %add3A_34 = vector.broadcast %mul3A_33 : i32 to vector<2048x1xi32>
    %add3A_35 = arith.addi %iota3A, %add3A_34 : vector<2048x1xi32>
    %lt3A = arith.constant 10000 : i32
    %lt3A_36 = vector.broadcast %lt3A : i32 to vector<2048x1xi32>
    %lt3A_37 = arith.cmpi slt, %add3A_35, %lt3A_36 : vector<2048x1xi32>
    %jit3A_38 = arith.constant 0.000000e+00 : f32
    %broadcast_in_dim3A_39 = vector.shape_cast %lt3A_37 : vector<2048x1xi1> to vector<2048x1xi1>
    %broadcast_in_dim3A_40 = vector.broadcast %broadcast_in_dim3A_39 : vector<2048x1xi1> to vector<2048x128xi1>
    %broadcast_in_dim3A_41 = vector.broadcast %jit3A_38 : f32 to vector<2048x128xf32>
    %select_n3A_42 = arith.select %broadcast_in_dim3A_40, %max3A_31, %broadcast_in_dim3A_41 : vector<2048x128xi1>, vector<2048x128xf32>
    %reduce_sum3A = arith.constant dense<0.000000e+00> : vector<128xf32>
    %reduce_sum3A_43 = vector.multi_reduction <add>, %select_n3A_42, %reduce_sum3A [0] : vector<2048x128xf32> to vector<128xf32>
    %broadcast_in_dim3A_44 = vector.shape_cast %reduce_sum3A_43 : vector<128xf32> to vector<1x128xf32>
    %mul3A_45 = arith.constant 9.99999974E-5 : f32
    %mul3A_46 = vector.broadcast %mul3A_45 : f32 to vector<1x128xf32>
    %mul3A_47 = arith.mulf %broadcast_in_dim3A_44, %mul3A_46 : vector<1x128xf32>
    %eq3A = arith.constant 0 : i32
    %eq3A_48 = arith.cmpi eq, %arg0, %eq3A : i32
    %convert_element_type3A = arith.extui %eq3A_48 : i1 to i32
    %cond3A = arith.constant 0 : i32
    %cond3A_49 = arith.cmpi ne, %convert_element_type3A, %cond3A : i32
    scf.if %cond3A_49 {
      %swap3A = arith.constant 0 : index
      %swap3A_55 = arith.constant 0 : index
      %swap3A_56 = vector.load %arg6[%swap3A, %swap3A_55] : memref<1x128xf32, #tpu.memory_space<vmem>>, vector<1x128xf32>
      tpu.vector_store %arg6[%swap3A, %swap3A_55], %mul3A_47 {strides = array<i32>} : memref<1x128xf32, #tpu.memory_space<vmem>>, vector<1x128xf32>,
    } else {
    }
    %gt3A_50 = arith.constant 0 : i32
    %gt3A_51 = arith.cmpi sgt, %arg0, %gt3A_50 : i32
    %convert_element_type3A_52 = arith.extui %gt3A_51 : i1 to i32
    %cond3A_53 = arith.constant 0 : i32
    %cond3A_54 = arith.cmpi ne, %convert_element_type3A_52, %cond3A_53 : i32
    scf.if %cond3A_54 {
      %get3A_55 = arith.constant 0 : index
      %get3A_56 = arith.constant 0 : index
      %get3A_57 = vector.load %arg6[%get3A_55, %get3A_56] : memref<1x128xf32, #tpu.memory_space<vmem>>, vector<1x128xf32>
      %add3A_58 = arith.addf %get3A_57, %mul3A_47 : vector<1x128xf32>
      %swap3A = arith.constant 0 : index
      %swap3A_59 = arith.constant 0 : index
      %swap3A_60 = vector.load %arg6[%swap3A, %swap3A_59] : memref<1x128xf32, #tpu.memory_space<vmem>>, vector<1x128xf32>
      tpu.vector_store %arg6[%swap3A, %swap3A_59], %add3A_58 {strides = array<i32>} : memref<1x128xf32, #tpu.memory_space<vmem>>, vector<1x128xf32>,
    } else {
    }
    return
  }
  func.func @transform_0(%arg0: i32) -> (i32, i32, i32) {
    %c0_i32 = arith.constant 0 : i32
    %c0_i32_0 = arith.constant 0 : i32
    %c0_i32_1 = arith.constant 0 : i32
    return %c0_i32, %arg0, %c0_i32_0 : i32, i32, i32
  }
  func.func @transform_1(%arg0: i32) -> (i32, i32, i32) {
    %c1_i32 = arith.constant 1 : i32
    %c0_i32 = arith.constant 0 : i32
    %c0_i32_0 = arith.constant 0 : i32
    return %c1_i32, %arg0, %c0_i32 : i32, i32, i32
  }
  func.func @transform_2(%arg0: i32) -> (i32, i32, i32) {
    %c0_i32 = arith.constant 0 : i32
    %c0_i32_0 = arith.constant 0 : i32
    %c0_i32_1 = arith.constant 0 : i32
    return %c0_i32, %arg0, %c0_i32_0 : i32, i32, i32
  }
  func.func @transform_3(%arg0: i32) -> (i32, i32, i32) {
    %c1_i32 = arith.constant 1 : i32
    %c0_i32 = arith.constant 0 : i32
    %c0_i32_0 = arith.constant 0 : i32
    return %c1_i32, %arg0, %c0_i32 : i32, i32, i32
  }
  func.func @transform_4(%arg0: i32) -> (i32, i32) {
    %c0_i32 = arith.constant 0 : i32
    %c0_i32_0 = arith.constant 0 : i32
    %c0_i32_1 = arith.constant 0 : i32
    return %c0_i32, %c0_i32_0 : i32, i32
  }
  func.func @transform_5(%arg0: i32) -> (i32, i32) {
    %c0_i32 = arith.constant 0 : i32
    %c0_i32_0 = arith.constant 0 : i32
    %c0_i32_1 = arith.constant 0 : i32
    return %c0_i32, %c0_i32_0 : i32, i32
  }
}

</mosaic_0001>

<sc_bundles>
// kernel: kernel.11.cloned.1.call-start
scs
__scs_entry_jumppad:
0x0: {  	(pc) =	sbr.rel $0x88, $3  }
0x1: {  	(tag) =	ssettag $0x0;
	lr =	simm.s32 $0x1  }
0x2: {  	[smem:$0x3F9B] =	sst lr;
	_ =	strace $0xD0000000  }
0x3: {  	_ = 	snop  }
0x4: {  	_ = 	snop  }
0x5: {  	_ = 	snop  }
0x6: {  	_ = 	snop  }
0x7: {  	_ = 	snop  }
__scs_overlays_trampoline_lowered:
0x8: {  	[smem:$0x3FAA] =	sst s0  }
0x9: {  	[smem:$0x3FAB] =	sst s1  }
0xa: {  	[smem:$0x3FAC] =	sst s2  }
0xb: {  	[smem:$0x3FAD] =	sst s3  }
0xc: {  	[smem:$0x3FAE] =	sst s4  }
0xd: {  	[smem:$0x3FAF] =	sst s5  }
0xe: {  	[smem:$0x3FB0] =	sst s6  }
0xf: {  	[smem:$0x3FB1] =	sst s7  }
0x10: {  	[smem:$0x3FB2] =	sst s8  }
0x11: {  	[smem:$0x3FB3] =	sst s9;
	s0 =	simm.s32 @!p0 $0x0  }
0x12: {  	s1 =	sld [smem:$0x3F99];
	s0 =	simm.s32 @p0 $0x1  }
0x13: {  	[smem:$0x3FB4] =	sst s0;
	s0 =	simm.s32 @!p1 $0x0  }
0x14: {  	s2 =	sld [smem:$0x3F98];
	s0 =	simm.s32 @p1 $0x1  }
0x15: {  	[smem:$0x3FB5] =	sst s0;
	s0 =	simm.s32 @!p2 $0x0  }
0x16: {  	s3 =	sld [smem:$0x3FDB];
	s0 =	simm.s32 @p2 $0x1  }
0x17: {  	s4 =	simm.s32 $0x1BF5;
	[smem:$0x3FB7] =	sst s0  }
0x18: {  	s0 =	sld [smem:$0x3F9A];
	_ =	swait.ge [sflag:s4], $0x0  }
0x19: {  	s7 =	sld [smem:$0x3F9B]  }
0x1a: {  	s8 =	sadd.s32 $0xFFFFE003, lr  }
0x1b: {  	s9 =	sadd.s32 $0xFFFFFEF7, lr;
	s5 =	simm.s32 $0xFFFFFFFF;
	p2 =	slt.u32 s8, $0xFFFFF086  }
0x1c: {  	p1 =	slt.u32 s9, $0xF7A;
	s5 =	simm.s32 @!p2 $0x0  }
0x1d: {  	s5 =	simm.s32 @p1 $0x1;
	p0 =	seq.s32 s7, s2  }
0x1e: {  	s7 =	smul.u32 @!p0 $0xF7A, s2;
	p2 =	seq.s32 @!p0 s5, $0x0  }
0x1f: {  	s9 =	smul.u32 $0xF7A, s1;
	s8 =	simm.s32 @!p0 $0x1BF5;
	p2 =	por !p2, p0  }
0x20: {  	[sflag:s8] =	ssyncset.s32 @!p0 $0xFFFFF086;
	s6 =	sadd.s32 @!p0 s3, s7;
	s7 =	simm.s32 @!p0 $0x108  }
0x21: {  	s3 =	sadd.s32 s3, s9;
	s6 =	sadd.s32 @!p0 $0x88, s6;
	s7 =	simm.s32 @p2 $0x1082  }
0x22: {  	[simem:s7], [sflag:s8] =	dma.local @!p0 [hbm:s6], $0xF7A  }
0x23: {  	s9 =	sor.u32 $0xD0000000, s2;
	s6 =	simm.s32 $0x108;
	_ =	swait.ge @!p0 [sflag:s8], $0x0  }
0x24: {  	s3 =	sadd.s32 $0x88, s3;
	s6 =	simm.s32 @!p1 $0x1082;
	[sflag:s4] =	ssyncset.s32 $0xFFFFF086  }
0x25: {  	[simem:s6], [sflag:s4] =	dma.local [hbm:s3], $0xF7A  }
0x26: {  	[smem:$0x3F9B] =	sst s1;
	(tag) =	ssettag s2;
	_ =	strace s9  }
0x27: {  	s1 =	sld [smem:$0x3FAB]  }
0x28: {  	s2 =	sld [smem:$0x3FAC]  }
0x29: {  	s4 =	sld [smem:$0x3FAE]  }
0x2a: {  	p0 =	seq.s32 s5, $0x0;
	s5 =	sld [smem:$0x3FAF]  }
0x2b: {  	s6 =	sld [smem:$0x3FB0]  }
0x2c: {  	s7 =	sld [smem:$0x3FB1]  }
0x2d: {  	s3 =	simm.s32 $0x108;
	s8 =	sld [smem:$0x3FB2]  }
0x2e: {  	s3 =	simm.s32 @!p0 $0x1082;
	s9 =	sld [smem:$0x3FB3]  }
0x2f: {  	lr =	sadd.s32 s0, s3;
	s0 =	sld [smem:$0x3FAA]  }
0x30: {  	s3 =	sld [smem:$0x3FAD]  }
0x31: {  	[smem:$0x3FB6] =	sst s10  }
0x32: {  	s10 =	sld [smem:$0x3FB4];
	_ =	sdelay $0x3  }
0x33: {  	p0 =	seq.s32 s10, $0x1;
	s10 =	sld [smem:$0x3FB6];
	_ =	sdelay $0x3  }
0x34: {  	[smem:$0x3FB6] =	sst s10  }
0x35: {  	s10 =	sld [smem:$0x3FB5];
	_ =	sdelay $0x3  }
0x36: {  	p1 =	seq.s32 s10, $0x1;
	s10 =	sld [smem:$0x3FB6];
	_ =	sdelay $0x3  }
0x37: {  	[smem:$0x3FB6] =	sst s10  }
0x38: {  	s10 =	sld [smem:$0x3FB7]  }
0x39: {  	_ = 	snop;
	(pc) =	sbr.ind lr, $3  }
0x3a: {  	_ = 	snop  }
0x3b: {  	_ = 	snop  }
0x3c: {  	p2 =	seq.s32 s10, $0x1;
	s10 =	sld [smem:$0x3FB6]  }
0x3d: {  	_ =	shalt  }
0x3e: {  	_ =	shalt  }
0x3f: {  	_ =	shalt  }
0x40: {  	_ =	shalt  }
0x41: {  	_ =	shalt  }
0x42: {  	_ =	shalt  }
0x43: {  	_ =	shalt  }
0x44: {  	_ =	shalt  }
0x45: {  	_ =	shalt  }
0x46: {  	_ =	shalt  }
0x47: {  	_ =	shalt  }
0x48: {  	_ =	shalt  }
0x49: {  	_ =	shalt  }
0x4a: {  	_ =	shalt  }
0x4b: {  	_ =	shalt  }
0x4c: {  	_ =	shalt  }
0x4d: {  	_ =	shalt  }
0x4e: {  	_ =	shalt  }
0x4f: {  	_ =	shalt  }
0x50: {  	_ =	shalt  }
0x51: {  	_ =	shalt  }
0x52: {  	_ =	shalt  }
0x53: {  	_ =	shalt  }
0x54: {  	_ =	shalt  }
0x55: {  	_ =	shalt  }
0x56: {  	_ =	shalt  }
0x57: {  	_ =	shalt  }
0x58: {  	_ =	shalt  }
0x59: {  	_ =	shalt  }
0x5a: {  	_ =	shalt  }
0x5b: {  	_ =	shalt  }
0x5c: {  	_ =	shalt  }
0x5d: {  	_ =	shalt  }
0x5e: {  	_ =	shalt  }
0x5f: {  	_ =	shalt  }
0x60: {  	_ =	shalt  }
0x61: {  	_ =	shalt  }
0x62: {  	_ =	shalt  }
0x63: {  	_ =	shalt  }
0x64: {  	_ =	shalt  }
0x65: {  	_ =	shalt  }
0x66: {  	_ =	shalt  }
0x67: {  	_ =	shalt  }
0x68: {  	_ =	shalt  }
0x69: {  	_ =	shalt  }
0x6a: {  	_ =	shalt  }
0x6b: {  	_ =	shalt  }
0x6c: {  	_ =	shalt  }
0x6d: {  	_ =	shalt  }
0x6e: {  	_ =	shalt  }
0x6f: {  	_ =	shalt  }
0x70: {  	_ =	shalt  }
0x71: {  	_ =	shalt  }
0x72: {  	_ =	shalt  }
0x73: {  	_ =	shalt  }
0x74: {  	_ =	shalt  }
0x75: {  	_ =	shalt  }
0x76: {  	_ =	shalt  }
0x77: {  	_ =	shalt  }
0x78: {  	_ =	shalt  }
0x79: {  	_ =	shalt  }
0x7a: {  	_ =	shalt  }
0x7b: {  	_ =	shalt  }
0x7c: {  	_ =	shalt  }
0x7d: {  	_ =	shalt  }
0x7e: {  	_ =	shalt  }
0x7f: {  	_ =	shalt  }
0x80: {  	_ =	shalt  }
0x81: {  	_ =	shalt  }
0x82: {  	_ =	shalt  }
0x83: {  	_ =	shalt  }
0x84: {  	_ =	shalt  }
0x85: {  	_ =	shalt  }
0x86: {  	_ =	shalt  }
0x87: {  	_ =	shalt  }
.Lfunc_end0:
.L_simem_size_0:
called_computation.1_lowered:
.L_overlay_start_0:
0x88: {  	s2 =	sld [smem:$0x3FD9]  }
0x89: {  	s3 =	sld [smem:$0x3FFE];
	_ =	sdelay $0x1  }
0x8a: {  	s1 =	srdreg.scid  }
0x8b: {  	s0 =	sand.u32 $0x1, s1  }
0x8c: {  	s16 =	sshll.u32 s0, $0xA;
	s2 =	sadd.s32 s3, s2  }
0x8d: {  	s2 =	sadd.s32 s2, s16  }
0x8e: {  	[smem:$0x3FC2] =	sst s2  }
0x8f: {  	_ = 	snop  }
0x90: {  	(tm) =	ssettm $0x1  }
0x91: {  	s17 =	sld [smem:$0x3FFB];
	_ =	sdelay $0x3  }
0x92: {  	_ =	strace s17  }
0x93: {  	s2 =	sld [smem:$0x3FFC];
	_ =	sdelay $0x3  }
0x94: {  	_ =	strace s2  }
0x95: {  	s2 =	sld [smem:$0x3FFD];
	_ =	sdelay $0x3  }
0x96: {  	_ =	strace s2  }
0x97: {  	_ =	strace $0x8FFFFFFF  }
0x98: {  	s18 =	sld [smem:$0x3FDB];
	_ =	sdelay $0x1  }
0x99: {  	s19 =	simm.s32 $_scs_section_size  }
0x9a: {  	s4 =	simm.s32 $_size__tile_overlayer_lowered;
	s5 =	simm.s32 $_tile_overlayer_lowered  }
0x9b: {  	s22 =	simm.s32 $0x1BFF;
	s21 =	sshll.u32 s5, $0x1;
	s2 =	sadd.s32 s19, s18  }
0x9c: {  	s6 =	simm.s32 $0x0;
	s20 =	sshll.u32 s4, $0x1;
	s4 =	sadd.s32 s21, s2  }
0x9d: {  	[timem:s6], [sflag:s22] =	dma.local [hbm:s4], s20  }
0x9e: {  	_ =	swait.ge [sflag:s22], s20  }
0x9f: {  	s3 =	ssub.s32 $0x0, s20;
	[sflag:s22] =	ssyncset.done $0x0  }
0xa0: {  	[sflag:s22] =	ssyncadd.s32 s3;
	_ =	sdelay $0x1  }
0xa1: {  	s23 =	simm.s32 $0x1B8B  }
0xa2: {  	_ =	swait.ge [sflag:s23], $0x1  }
0xa3: {  	[sflag:s23] =	ssyncset.done $0x0  }
0xa4: {  	s25 =	simm.s32 $0x1B8E;
	s24 =	sld [smem:$0x3FFE];
	[sflag:s23] =	ssyncadd.s32 $0xFFFFFFFF  }
0xa5: {  	s26 =	simm.s32 $execute0_lowered;
	[smem:$0x3FD2] =	sst s25  }
0xa6: {  	s4 =	sshll.u32 s26, $0x1;
	_ =	strace $0x80000049;
	[dreg:$0x1] =	wrdreg $0xFFFFFFFF  }
0xa7: {  	s28 =	simm.s32 $_size_execute0_lowered;
	s2 =	sadd.s32 s2, s4;
	[dreg:$0x0] =	wrdreg $0x0  }
0xa8: {  	s4 =	sshll.u32 s28, $0x1;
	[dreg:$0x2] =	wrdreg s2  }
0xa9: {  	[dreg:$0x3] =	wrdreg s4  }
0xaa: {  	[dreg:$0x4] =	wrdreg $0xC0  }
0xab: {  	_ =	task [dreg:s6], $0x5FFFF  }
0xac: {  	[dreg:$0x1] =	wrdreg $0xFFFFFFFF  }
0xad: {  	[dreg:$0x0] =	wrdreg $0x60  }
0xae: {  	[dreg:$0x2] =	wrdreg s24  }
0xaf: {  	[dreg:$0x3] =	wrdreg $0xA8000  }
0xb0: {  	[dreg:$0x4] =	wrdreg $0x9  }
0xb1: {  	_ =	task.clear_ibuf [dreg:s6], $0x5FFFF;
	_ =	strace $0x90000049  }
0xb2: {  	s29 =	simm.s32 $0x9;
	_ =	strace $0x8000004B  }
0xb3: {  	_ =	swait.ge [sflag:s29], $0x1  }
0xb4: {  	[sflag:s29] =	ssyncadd.s32 $0xFFFFFFFF  }
0xb5: {  	_ =	strace $0x9000004B  }
0xb6: {  	_ =	sfence  }
0xb7: {  	s30 =	sld [smem:$0x0];
	_ =	sdelay $0x2  }
0xb8: {  	s31 =	sshll.u32 s1, $0xD;
	s1 =	sshrl.u32 s1, $0x2  }
0xb9: {  	s3 =	sand.u32 $0x4000, s31;
	s1 =	sadd.s32 s1, s30  }
0xba: {  	s0 =	sor.u32 s3, s0;
	s1 =	sshll.u32 s1, $0x11  }
0xbb: {  	s0 =	sor.u32 s1, s0  }
0xbc: {  	s0 =	sadd.s32 $0x8F2B, s0  }
0xbd: {  	[sflag:s0] =	ssyncadd.remote.s32 $0x1  }
0xbe: {  	_ =	sfence.sel $0xFFFF  }
0xbf: {  	[dreg:$0x0] =	wrdreg $0xFFFFFFFF;
	(pc) =	sbr.abs _section_cstart, $3  }
0xc0: {  	[dreg:$0x1] =	wrdreg $0xFFFFFFFF  }
0xc1: {  	_ =	task.clear_ibuf [dreg:s6], $0x2FFFF;
	_ =	strace $0x9FFFFFFF  }
0xc2: {  	(tm) =	ssettm $0x7FFFFFFF  }
0xc3: {  	_ =	shalt  }
tec
execute0_lowered:
.L_overlay_start_1:
0x0: {  	(tag) =	ssettag $0x1  }
0x1: {  	s6 =	rddreg [dreg:$0x0]  }
0x2: {  	s1 =	rddreg [dreg:$0x1]  }
0x3: {  	s0 =	rddreg [dreg:$0x2];
	s2 =	simm.s32 $0x0;
	s3 =	srdreg.scid  }
0x4: {  	s17 =	simm.s32 $0x3;
	s18 =	simm.s32 $0x80;
	s19 =	simm.s32 $0x2800  }
0x5: {  	s20 =	simm.s32 $0x1400;
	s21 =	simm.s32 $0x6800;
	s22 =	simm.s32 $0x1  }
0x6: {  	s23 =	simm.s32 $0x2;
	s24 =	simm.s32 $0x1380;
	s25 =	simm.s32 $0x2700  }
0x7: {  	s28 =	simm.s32 $0x0;
	[smem:$0x7FF] =	sst s2;
	s7 =	sand.u32 $0x1, s3  }
0x8: {  	s4 =	sadd.s32 $0x66600, s6;
	s3 =	stileid.u32;
	s9 =	sadd.s32 $0xC600, s6  }
0x9: {  	s12 =	sadd.s32 $0x2600, s6;
	s5 =	sadd.s32 $0x8E600, s6;
	s8 =	smul.u32 $0x140000, s7  }
0xa: {  	_ =	strace $0x8000004A;
	s10 =	smul.u32 $0x14000, s3;
	s11 =	sshll.u32 s3, $0x1  }
0xb: {  	s13 =	smul.u32 $0x50000, s3;
	s11 =	sor.u32 s7, s11;
	s7 =	ssub.s32 $0x2, s7  }
0xc: {  	s8 =	sadd.s32 s10, s8;
	s26 =	smul.u32 $0x2800, s11;
	s29 =	sshrl.u32 s7, $0x1  }
0xd: {  	s31 =	sshrl.u32 s13, $0x2;
	s8 =	sshrl.u32 s8, $0x3;
	s15 =	ssub.s32 s7, s29  }
0xe: {  	s14 =	sadd.s32 s8, s6;
	s30 =	sshrl.u32 s26, $0x3;
	s8 =	sadd.s32 s31, s1  }
0xf: {  	s26 =	simm.s32 $0x2780;
	s6 =	sadd.s32 s9, s30;
	s10 =	sadd.s32 $0x280, s30  }
0x10: {  	s7 =	sadd.s32 s12, s30;
	s11 =	sadd.s32 $0x8EE00, s14;
	s13 =	sadd.s32 $0x4000, s8  }
0x11: {  	s14 =	sadd.s32 $0x8000, s8;
	s16 =	sadd.s32 $0x10000, s8;
	s9 =	sadd.s32 s9, s10  }
0x12: {  	s10 =	sadd.s32 s12, s10;
	s12 =	smax.u32 s15, $0x1;
	s15 =	sadd.s32 $0xC000, s8  }
.LBB2_1:
0x13: {  	[tilespmem:s2], [sflag:$0x3] =	stream.linear.gather [hbm4b:s6+s2], $0x1400, $0x38;
	[tilespmem:$0x1E800] =	vst v63  }
0x14: {  	_ =	swait.ge [sflag:s17], $0x1400  }
0x15: {  	[sflag:s17] =	ssyncset.done $0x0  }
0x16: {  	[sflag:s17] =	ssyncadd.s32 $0xFFFFEC00  }
0x17: {  	[tilespmem:s19], [sflag:$0x1] =	stream.indirect.gather [hbm4b:s4+s18], $0x80, s2, s18, $0xb8;
	[tilespmem:$0x1E800] =	vst v63  }
0x18: {  	_ = 	snop  }
0x19: {  	[tilespmem:s20], [sflag:$0x3] =	stream.linear.gather [hbm4b:s7+s2], $0x1400, $0x38;
	[tilespmem:$0x1E800] =	vst v63  }
0x1a: {  	_ =	swait.ge [sflag:s17], $0x1400  }
0x1b: {  	[sflag:s17] =	ssyncset.done $0x0  }
0x1c: {  	[sflag:s17] =	ssyncadd.s32 $0xFFFFEC00  }
0x1d: {  	[tilespmem:s21], [sflag:$0x3] =	stream.linear.gather [hbm4b:s5+s2], $0x4000, $0x38;
	[tilespmem:$0x1E800] =	vst v63  }
0x1e: {  	_ =	swait.ge [sflag:s17], $0x4000  }
0x1f: {  	[sflag:s17] =	ssyncset.done $0x0  }
0x20: {  	[sflag:s17] =	ssyncadd.s32 $0xFFFFC000  }
0x21: {  	[spmem:s8] =	stream.linear.scatter [tilespmem:s21], [sflag:$0x3], $0x4000, $0x38;
	[tilespmem:$0x1E800] =	vst v63  }
0x22: {  	_ =	swait.ge [sflag:s17], $0x4000  }
0x23: {  	[sflag:s17] =	ssyncset.done $0x0  }
0x24: {  	[sflag:s17] =	ssyncadd.s32 $0xFFFFC000  }
0x25: {  	[spmem:s13] =	stream.linear.scatter [tilespmem:s21], [sflag:$0x3], $0x4000, $0x38;
	[tilespmem:$0x1E800] =	vst v63  }
0x26: {  	_ =	swait.ge [sflag:s17], $0x4000  }
0x27: {  	[sflag:s17] =	ssyncset.done $0x0  }
0x28: {  	[sflag:s17] =	ssyncadd.s32 $0xFFFFC000  }
0x29: {  	[spmem:s14] =	stream.linear.scatter [tilespmem:s21], [sflag:$0x3], $0x4000, $0x38;
	[tilespmem:$0x1E800] =	vst v63  }
0x2a: {  	_ =	swait.ge [sflag:s17], $0x4000  }
0x2b: {  	[sflag:s17] =	ssyncset.done $0x0  }
0x2c: {  	[sflag:s17] =	ssyncadd.s32 $0xFFFFC000  }
0x2d: {  	[spmem:s15] =	stream.linear.scatter [tilespmem:s21], [sflag:$0x3], $0x4000, $0x38;
	[tilespmem:$0x1E800] =	vst v63  }
0x2e: {  	_ =	swait.ge [sflag:s17], $0x4000  }
0x2f: {  	[sflag:s17] =	ssyncset.done $0x0  }
0x30: {  	[sflag:s17] =	ssyncadd.s32 $0xFFFFC000  }
0x31: {  	[spmem:s16] =	stream.linear.scatter [tilespmem:s21], [sflag:$0x3], $0x4000, $0x38;
	[tilespmem:$0x1E800] =	vst v63  }
0x32: {  	_ =	swait.ge [sflag:s17], $0x4000  }
0x33: {  	[sflag:s17] =	ssyncset.done $0x0  }
0x34: {  	[sflag:s17] =	ssyncadd.s32 $0xFFFFC000  }
0x35: {  	[bflag:$0x0] =	sbarrier.arrive $0xFFFF  }
0x36: {  	_ =	swait.ge [sflag:s22], $0x4000  }
0x37: {  	[sflag:s22] =	ssyncset.done $0x0  }
0x38: {  	s29 =	simm.s32 $0x80;
	[sflag:s22] =	ssyncadd.s32 $0xFFFFC000  }
0x39: {  	[tilespmem:s21], [sflag:$0x2] =	stream.indirect.gather [hbm4b:s4+s18], $0x80, s29, s18, $0xb8;
	[tilespmem:$0x1E800] =	vst v63  }
0x3a: {  	s29 =	simm.s32 $0x1400  }
0x3b: {  	[spmem:s1] =	stream.indirect.scatter.add.f32 [tilespmem:s19], [sflag:$0x3], $0x80, s29, s18, $0xb8;
	[tilespmem:$0x1E800] =	vst v63  }
0x3c: {  	_ =	swait.ge [sflag:s17], $0x4000  }
0x3d: {  	[sflag:s17] =	ssyncset.done $0x0  }
0x3e: {  	s29 =	simm.s32 $0x100;
	[sflag:s17] =	ssyncadd.s32 $0xFFFFC000  }
0x3f: {  	[tilespmem:s19], [sflag:$0x1] =	stream.indirect.gather [hbm4b:s4+s18], $0x80, s29, s18, $0xb8;
	[tilespmem:$0x1E800] =	vst v63  }
0x40: {  	_ =	swait.ge [sflag:s23], $0x4000  }
0x41: {  	[sflag:s23] =	ssyncset.done $0x0  }
0x42: {  	s29 =	simm.s32 $0x1480;
	[sflag:s23] =	ssyncadd.s32 $0xFFFFC000  }
0x43: {  	[spmem:s1] =	stream.indirect.scatter.add.f32 [tilespmem:s21], [sflag:$0x3], $0x80, s29, s18, $0xb8;
	[tilespmem:$0x1E800] =	vst v63  }
0x44: {  	_ =	swait.ge [sflag:s17], $0x4000  }
0x45: {  	s29 =	simm.s32 $0x400;
	[sflag:s17] =	ssyncset.done $0x0  }
.LBB2_2:
0x46: {  	p0 =	sne.s32 s29, $0x4800  }
0x47: {  	[sflag:s17] =	ssyncadd.s32 $0xFFFFC000;
	s30 =	smov.u32 s29;
	s29 =	sadd.s32 $0x400, s29  }
0x48: {  	_ =	swait.ge [sflag:s22], $0x4000  }
0x49: {  	s30 =	sshra.s32 s30, $0x2;
	[sflag:s22] =	ssyncset.done $0x0  }
0x4a: {  	s31 =	sadd.s32 $0x80, s30;
	[sflag:s22] =	ssyncadd.s32 $0xFFFFC000  }
0x4b: {  	[tilespmem:s21], [sflag:$0x2] =	stream.indirect.gather [hbm4b:s4+s18], $0x80, s31, s18, $0xb8;
	[tilespmem:$0x1E800] =	vst v63  }
0x4c: {  	s31 =	sadd.s32 $0x1400, s30  }
0x4d: {  	[spmem:s1] =	stream.indirect.scatter.add.f32 [tilespmem:s19], [sflag:$0x3], $0x80, s31, s18, $0xb8;
	[tilespmem:$0x1E800] =	vst v63  }
0x4e: {  	_ =	swait.ge [sflag:s17], $0x4000  }
0x4f: {  	[sflag:s17] =	ssyncset.done $0x0  }
0x50: {  	s31 =	sadd.s32 $0x100, s30;
	[sflag:s17] =	ssyncadd.s32 $0xFFFFC000  }
0x51: {  	[tilespmem:s19], [sflag:$0x1] =	stream.indirect.gather [hbm4b:s4+s18], $0x80, s31, s18, $0xb8;
	[tilespmem:$0x1E800] =	vst v63  }
0x52: {  	_ =	swait.ge [sflag:s23], $0x4000  }
.Ltmp0:
0x53: {  	[sflag:s23] =	ssyncset.done $0x0;
	(pc) =	sbr.rel @p0 .LBB2_2-.Ltmp0, $4  }
0x54: {  	s30 =	sadd.s32 $0x1480, s30;
	[sflag:s23] =	ssyncadd.s32 $0xFFFFC000  }
0x55: {  	[spmem:s1] =	stream.indirect.scatter.add.f32 [tilespmem:s21], [sflag:$0x3], $0x80, s30, s18, $0xb8;
	[tilespmem:$0x1E800] =	vst v63  }
0x56: {  	_ =	swait.ge [sflag:s17], $0x4000  }
0x57: {  	[sflag:s17] =	ssyncset.done $0x0  }
0x58: {  	[sflag:s17] =	ssyncadd.s32 $0xFFFFC000  }
0x59: {  	_ =	swait.ge [sflag:s22], $0x4000  }
0x5a: {  	[sflag:s22] =	ssyncset.done $0x0  }
0x5b: {  	[sflag:s22] =	ssyncadd.s32 $0xFFFFC000  }
0x5c: {  	[tilespmem:s21], [sflag:$0x2] =	stream.indirect.gather [hbm4b:s4+s18], $0x80, s24, s18, $0xb8;
	[tilespmem:$0x1E800] =	vst v63  }
0x5d: {  	_ = 	snop  }
0x5e: {  	[spmem:s1] =	stream.indirect.scatter.add.f32 [tilespmem:s19], [sflag:$0x3], $0x80, s25, s18, $0xb8;
	[tilespmem:$0x1E800] =	vst v63  }
0x5f: {  	_ =	swait.ge [sflag:s17], $0x4000  }
0x60: {  	[sflag:s17] =	ssyncset.done $0x0  }
0x61: {  	[sflag:s17] =	ssyncadd.s32 $0xFFFFC000  }
0x62: {  	_ =	swait.ge [sflag:s23], $0x4000  }
0x63: {  	[sflag:s23] =	ssyncset.done $0x0  }
0x64: {  	[sflag:s23] =	ssyncadd.s32 $0xFFFFC000  }
0x65: {  	[spmem:s1] =	stream.indirect.scatter.add.f32 [tilespmem:s21], [sflag:$0x3], $0x80, s26, s18, $0xb8;
	[tilespmem:$0x1E800] =	vst v63  }
0x66: {  	_ =	swait.ge [sflag:s17], $0x4000  }
0x67: {  	[sflag:s17] =	ssyncset.done $0x0  }
0x68: {  	s29 =	simm.s32 $0x0;
	[sflag:s17] =	ssyncadd.s32 $0xFFFFC000  }
0x69: {  	[tilespmem:s29], [sflag:$0x3] =	stream.linear.gather [hbm4b:s9+s29], $0x1400, $0x38;
	[tilespmem:$0x1E800] =	vst v63  }
0x6a: {  	_ =	swait.ge [sflag:s17], $0x1400  }
0x6b: {  	[sflag:s17] =	ssyncset.done $0x0  }
0x6c: {  	[sflag:s17] =	ssyncadd.s32 $0xFFFFEC00  }
0x6d: {  	[tilespmem:s20], [sflag:$0x3] =	stream.linear.gather [hbm4b:s10+s29], $0x1400, $0x38;
	[tilespmem:$0x1E800] =	vst v63  }
0x6e: {  	_ =	swait.ge [sflag:s17], $0x1400  }
0x6f: {  	[sflag:s17] =	ssyncset.done $0x0  }
0x70: {  	[sflag:s17] =	ssyncadd.s32 $0xFFFFEC00  }
0x71: {  	[tilespmem:s19], [sflag:$0x1] =	stream.indirect.gather [hbm4b:s4+s18], $0x80, s29, s18, $0xb8;
	[tilespmem:$0x1E800] =	vst v63  }
0x72: {  	_ =	swait.ge [sflag:s22], $0x4000  }
0x73: {  	[sflag:s22] =	ssyncset.done $0x0  }
0x74: {  	s29 =	simm.s32 $0x80;
	[sflag:s22] =	ssyncadd.s32 $0xFFFFC000  }
0x75: {  	[tilespmem:s21], [sflag:$0x2] =	stream.indirect.gather [hbm4b:s4+s18], $0x80, s29, s18, $0xb8;
	[tilespmem:$0x1E800] =	vst v63  }
0x76: {  	s29 =	simm.s32 $0x1400  }
0x77: {  	[spmem:s1] =	stream.indirect.scatter.add.f32 [tilespmem:s19], [sflag:$0x3], $0x80, s29, s18, $0xb8;
	[tilespmem:$0x1E800] =	vst v63  }
0x78: {  	_ =	swait.ge [sflag:s17], $0x4000  }
0x79: {  	[sflag:s17] =	ssyncset.done $0x0  }
0x7a: {  	s29 =	simm.s32 $0x100;
	[sflag:s17] =	ssyncadd.s32 $0xFFFFC000  }
0x7b: {  	[tilespmem:s19], [sflag:$0x1] =	stream.indirect.gather [hbm4b:s4+s18], $0x80, s29, s18, $0xb8;
	[tilespmem:$0x1E800] =	vst v63  }
0x7c: {  	_ =	swait.ge [sflag:s23], $0x4000  }
0x7d: {  	[sflag:s23] =	ssyncset.done $0x0  }
0x7e: {  	s29 =	simm.s32 $0x1480;
	[sflag:s23] =	ssyncadd.s32 $0xFFFFC000  }
0x7f: {  	[spmem:s1] =	stream.indirect.scatter.add.f32 [tilespmem:s21], [sflag:$0x3], $0x80, s29, s18, $0xb8;
	[tilespmem:$0x1E800] =	vst v63  }
0x80: {  	_ =	swait.ge [sflag:s17], $0x4000  }
0x81: {  	s29 =	simm.s32 $0x400;
	[sflag:s17] =	ssyncset.done $0x0  }
.LBB2_4:
0x82: {  	p0 =	sne.s32 s29, $0x4800  }
0x83: {  	[sflag:s17] =	ssyncadd.s32 $0xFFFFC000;
	s30 =	smov.u32 s29;
	s29 =	sadd.s32 $0x400, s29  }
0x84: {  	_ =	swait.ge [sflag:s22], $0x4000  }
0x85: {  	s30 =	sshra.s32 s30, $0x2;
	[sflag:s22] =	ssyncset.done $0x0  }
0x86: {  	s31 =	sadd.s32 $0x80, s30;
	[sflag:s22] =	ssyncadd.s32 $0xFFFFC000  }
0x87: {  	[tilespmem:s21], [sflag:$0x2] =	stream.indirect.gather [hbm4b:s4+s18], $0x80, s31, s18, $0xb8;
	[tilespmem:$0x1E800] =	vst v63  }
0x88: {  	s31 =	sadd.s32 $0x1400, s30  }
0x89: {  	[spmem:s1] =	stream.indirect.scatter.add.f32 [tilespmem:s19], [sflag:$0x3], $0x80, s31, s18, $0xb8;
	[tilespmem:$0x1E800] =	vst v63  }
0x8a: {  	_ =	swait.ge [sflag:s17], $0x4000  }
0x8b: {  	[sflag:s17] =	ssyncset.done $0x0  }
0x8c: {  	s31 =	sadd.s32 $0x100, s30;
	[sflag:s17] =	ssyncadd.s32 $0xFFFFC000  }
0x8d: {  	[tilespmem:s19], [sflag:$0x1] =	stream.indirect.gather [hbm4b:s4+s18], $0x80, s31, s18, $0xb8;
	[tilespmem:$0x1E800] =	vst v63  }
0x8e: {  	_ =	swait.ge [sflag:s23], $0x4000  }
.Ltmp1:
0x8f: {  	[sflag:s23] =	ssyncset.done $0x0;
	(pc) =	sbr.rel @p0 .LBB2_4-.Ltmp1, $4  }
0x90: {  	s30 =	sadd.s32 $0x1480, s30;
	[sflag:s23] =	ssyncadd.s32 $0xFFFFC000  }
0x91: {  	[spmem:s1] =	stream.indirect.scatter.add.f32 [tilespmem:s21], [sflag:$0x3], $0x80, s30, s18, $0xb8;
	[tilespmem:$0x1E800] =	vst v63  }
0x92: {  	_ =	swait.ge [sflag:s17], $0x4000  }
0x93: {  	[sflag:s17] =	ssyncset.done $0x0  }
0x94: {  	[sflag:s17] =	ssyncadd.s32 $0xFFFFC000  }
0x95: {  	_ =	swait.ge [sflag:s22], $0x4000  }
0x96: {  	[sflag:s22] =	ssyncset.done $0x0  }
0x97: {  	[sflag:s22] =	ssyncadd.s32 $0xFFFFC000  }
0x98: {  	[tilespmem:s21], [sflag:$0x2] =	stream.indirect.gather [hbm4b:s4+s18], $0x80, s24, s18, $0xb8;
	[tilespmem:$0x1E800] =	vst v63  }
0x99: {  	_ = 	snop  }
0x9a: {  	[spmem:s1] =	stream.indirect.scatter.add.f32 [tilespmem:s19], [sflag:$0x3], $0x80, s25, s18, $0xb8;
	[tilespmem:$0x1E800] =	vst v63  }
0x9b: {  	_ =	swait.ge [sflag:s17], $0x4000  }
0x9c: {  	[sflag:s17] =	ssyncset.done $0x0  }
0x9d: {  	[sflag:s17] =	ssyncadd.s32 $0xFFFFC000  }
0x9e: {  	_ =	swait.ge [sflag:s23], $0x4000  }
0x9f: {  	[sflag:s23] =	ssyncset.done $0x0  }
0xa0: {  	[sflag:s23] =	ssyncadd.s32 $0xFFFFC000  }
0xa1: {  	[spmem:s1] =	stream.indirect.scatter.add.f32 [tilespmem:s21], [sflag:$0x3], $0x80, s26, s18, $0xb8;
	[tilespmem:$0x1E800] =	vst v63  }
0xa2: {  	_ =	swait.ge [sflag:s17], $0x4000  }
0xa3: {  	s29 =	sshll.u32 s3, $0x6;
	s28 =	sadd.s32 $0x1, s28;
	[sflag:s17] =	ssyncset.done $0x0  }
0xa4: {  	s30 =	sshrl.u32 s8, $0x3;
	p0 =	sne.s32 s28, s12;
	[sflag:s17] =	ssyncadd.s32 $0xFFFFC000  }
.Ltmp2:
0xa5: {  	s29 =	sor.u32 $0x1C03, s29;
	[bflag:$0x0] =	sbarrier.arrive $0xFFFF;
	(pc) =	sbr.rel @p0 .LBB2_1-.Ltmp2, $4  }
0xa6: {  	[hbm:s11], [sflag:s29] =	dma.local [spmem:s30], $0x2800  }
0xa7: {  	_ =	swait.ge [sflag:s17], $0x2800  }
0xa8: {  	[sflag:s17] =	ssyncset.done $0x0  }
0xa9: {  	[sflag:s17] =	ssyncadd.s32 $0xFFFFD800  }
0xaa: {  	_ =	sfence.sel $0x180000  }
0xab: {  	[bflag:$0x0] =	sbarrier.arrive $0xFFFF  }
0xac: {  	p0 =	sne.s32 s3, $0x0;
	_ =	strace $0x9000004A  }
0xad: {  	s0 =	sadd.s32 @!p0 $0x100000, s0;
	[bflag:$0x2] =	sbarrier.arrive $0xFFFF  }
0xae: {  	[sflag:s0] =	ssyncadd.tile.s32 @!p0 $0x1;
	_ =	shalt  }
.Lfunc_end2:
_tile_overlayer_lowered:
.L_overlay_start_2:
0xaf: {  	(tag) =	ssettag $0x2  }
0xb0: {  	s0 =	rddreg [dreg:$0x0];
	s2 =	stileid.u32  }
0xb1: {  	s1 =	rddreg [dreg:$0x1];
	p0 =	sne.s32 s2, $0x0  }
0xb2: {  	s3 =	rddreg [dreg:$0x2];
	[bflag:$0x3] =	sbarrier.arrive $0xFFFF;
	s2 =	simm.s32 @!p0 $0x1C03  }
0xb3: {  	[timem:s3], [sflag:s2] =	dma.local @!p0 [hbm:s0], s1  }
0xb4: {  	s0 =	simm.s32 @!p0 $0x3  }
0xb5: {  	_ =	swait.ge @!p0 [sflag:s0], s1  }
0xb6: {  	s1 =	ssub.s32 @!p0 $0x0, s1;
	[sflag:s0] =	ssyncset.done @!p0 $0x0  }
0xb7: {  	[sflag:s0] =	ssyncadd.s32 @!p0 s1  }
0xb8: {  	[bflag:$0x3] =	sbarrier.arrive $0xFFFF  }
0xb9: {  	_ =	shalt  }

// kernel: kernel.14.cloned.1.call-start
scs
__scs_entry_jumppad:
0x0: {  	(pc) =	sbr.rel $0x88, $3  }
0x1: {  	(tag) =	ssettag $0x0;
	lr =	simm.s32 $0x1  }
0x2: {  	[smem:$0x3F9B] =	sst lr;
	_ =	strace $0xD0000000  }
0x3: {  	_ = 	snop  }
0x4: {  	_ = 	snop  }
0x5: {  	_ = 	snop  }
0x6: {  	_ = 	snop  }
0x7: {  	_ = 	snop  }
__scs_overlays_trampoline_lowered:
0x8: {  	[smem:$0x3FAA] =	sst s0  }
0x9: {  	[smem:$0x3FAB] =	sst s1  }
0xa: {  	[smem:$0x3FAC] =	sst s2  }
0xb: {  	[smem:$0x3FAD] =	sst s3  }
0xc: {  	[smem:$0x3FAE] =	sst s4  }
0xd: {  	[smem:$0x3FAF] =	sst s5  }
0xe: {  	[smem:$0x3FB0] =	sst s6  }
0xf: {  	[smem:$0x3FB1] =	sst s7  }
0x10: {  	[smem:$0x3FB2] =	sst s8  }
0x11: {  	[smem:$0x3FB3] =	sst s9;
	s0 =	simm.s32 @!p0 $0x0  }
0x12: {  	s1 =	sld [smem:$0x3F99];
	s0 =	simm.s32 @p0 $0x1  }
0x13: {  	[smem:$0x3FB4] =	sst s0;
	s0 =	simm.s32 @!p1 $0x0  }
0x14: {  	s2 =	sld [smem:$0x3F98];
	s0 =	simm.s32 @p1 $0x1  }
0x15: {  	[smem:$0x3FB5] =	sst s0;
	s0 =	simm.s32 @!p2 $0x0  }
0x16: {  	s3 =	sld [smem:$0x3FDB];
	s0 =	simm.s32 @p2 $0x1  }
0x17: {  	s4 =	simm.s32 $0x1BF5;
	[smem:$0x3FB7] =	sst s0  }
0x18: {  	s0 =	sld [smem:$0x3F9A];
	_ =	swait.ge [sflag:s4], $0x0  }
0x19: {  	s7 =	sld [smem:$0x3F9B]  }
0x1a: {  	s8 =	sadd.s32 $0xFFFFE003, lr  }
0x1b: {  	s9 =	sadd.s32 $0xFFFFFEF7, lr;
	s5 =	simm.s32 $0xFFFFFFFF;
	p2 =	slt.u32 s8, $0xFFFFF086  }
0x1c: {  	p1 =	slt.u32 s9, $0xF7A;
	s5 =	simm.s32 @!p2 $0x0  }
0x1d: {  	s5 =	simm.s32 @p1 $0x1;
	p0 =	seq.s32 s7, s2  }
0x1e: {  	s7 =	smul.u32 @!p0 $0xF7A, s2;
	p2 =	seq.s32 @!p0 s5, $0x0  }
0x1f: {  	s9 =	smul.u32 $0xF7A, s1;
	s8 =	simm.s32 @!p0 $0x1BF5;
	p2 =	por !p2, p0  }
0x20: {  	[sflag:s8] =	ssyncset.s32 @!p0 $0xFFFFF086;
	s6 =	sadd.s32 @!p0 s3, s7;
	s7 =	simm.s32 @!p0 $0x108  }
0x21: {  	s3 =	sadd.s32 s3, s9;
	s6 =	sadd.s32 @!p0 $0x88, s6;
	s7 =	simm.s32 @p2 $0x1082  }
0x22: {  	[simem:s7], [sflag:s8] =	dma.local @!p0 [hbm:s6], $0xF7A  }
0x23: {  	s9 =	sor.u32 $0xD0000000, s2;
	s6 =	simm.s32 $0x108;
	_ =	swait.ge @!p0 [sflag:s8], $0x0  }
0x24: {  	s3 =	sadd.s32 $0x88, s3;
	s6 =	simm.s32 @!p1 $0x1082;
	[sflag:s4] =	ssyncset.s32 $0xFFFFF086  }
0x25: {  	[simem:s6], [sflag:s4] =	dma.local [hbm:s3], $0xF7A  }
0x26: {  	[smem:$0x3F9B] =	sst s1;
	(tag) =	ssettag s2;
	_ =	strace s9  }
0x27: {  	s1 =	sld [smem:$0x3FAB]  }
0x28: {  	s2 =	sld [smem:$0x3FAC]  }
0x29: {  	s4 =	sld [smem:$0x3FAE]  }
0x2a: {  	p0 =	seq.s32 s5, $0x0;
	s5 =	sld [smem:$0x3FAF]  }
0x2b: {  	s6 =	sld [smem:$0x3FB0]  }
0x2c: {  	s7 =	sld [smem:$0x3FB1]  }
0x2d: {  	s3 =	simm.s32 $0x108;
	s8 =	sld [smem:$0x3FB2]  }
0x2e: {  	s3 =	simm.s32 @!p0 $0x1082;
	s9 =	sld [smem:$0x3FB3]  }
0x2f: {  	lr =	sadd.s32 s0, s3;
	s0 =	sld [smem:$0x3FAA]  }
0x30: {  	s3 =	sld [smem:$0x3FAD]  }
0x31: {  	[smem:$0x3FB6] =	sst s10  }
0x32: {  	s10 =	sld [smem:$0x3FB4];
	_ =	sdelay $0x3  }
0x33: {  	p0 =	seq.s32 s10, $0x1;
	s10 =	sld [smem:$0x3FB6];
	_ =	sdelay $0x3  }
0x34: {  	[smem:$0x3FB6] =	sst s10  }
0x35: {  	s10 =	sld [smem:$0x3FB5];
	_ =	sdelay $0x3  }
0x36: {  	p1 =	seq.s32 s10, $0x1;
	s10 =	sld [smem:$0x3FB6];
	_ =	sdelay $0x3  }
0x37: {  	[smem:$0x3FB6] =	sst s10  }
0x38: {  	s10 =	sld [smem:$0x3FB7]  }
0x39: {  	_ = 	snop;
	(pc) =	sbr.ind lr, $3  }
0x3a: {  	_ = 	snop  }
0x3b: {  	_ = 	snop  }
0x3c: {  	p2 =	seq.s32 s10, $0x1;
	s10 =	sld [smem:$0x3FB6]  }
0x3d: {  	_ =	shalt  }
0x3e: {  	_ =	shalt  }
0x3f: {  	_ =	shalt  }
0x40: {  	_ =	shalt  }
0x41: {  	_ =	shalt  }
0x42: {  	_ =	shalt  }
0x43: {  	_ =	shalt  }
0x44: {  	_ =	shalt  }
0x45: {  	_ =	shalt  }
0x46: {  	_ =	shalt  }
0x47: {  	_ =	shalt  }
0x48: {  	_ =	shalt  }
0x49: {  	_ =	shalt  }
0x4a: {  	_ =	shalt  }
0x4b: {  	_ =	shalt  }
0x4c: {  	_ =	shalt  }
0x4d: {  	_ =	shalt  }
0x4e: {  	_ =	shalt  }
0x4f: {  	_ =	shalt  }
0x50: {  	_ =	shalt  }
0x51: {  	_ =	shalt  }
0x52: {  	_ =	shalt  }
0x53: {  	_ =	shalt  }
0x54: {  	_ =	shalt  }
0x55: {  	_ =	shalt  }
0x56: {  	_ =	shalt  }
0x57: {  	_ =	shalt  }
0x58: {  	_ =	shalt  }
0x59: {  	_ =	shalt  }
0x5a: {  	_ =	shalt  }
0x5b: {  	_ =	shalt  }
0x5c: {  	_ =	shalt  }
0x5d: {  	_ =	shalt  }
0x5e: {  	_ =	shalt  }
0x5f: {  	_ =	shalt  }
0x60: {  	_ =	shalt  }
0x61: {  	_ =	shalt  }
0x62: {  	_ =	shalt  }
0x63: {  	_ =	shalt  }
0x64: {  	_ =	shalt  }
0x65: {  	_ =	shalt  }
0x66: {  	_ =	shalt  }
0x67: {  	_ =	shalt  }
0x68: {  	_ =	shalt  }
0x69: {  	_ =	shalt  }
0x6a: {  	_ =	shalt  }
0x6b: {  	_ =	shalt  }
0x6c: {  	_ =	shalt  }
0x6d: {  	_ =	shalt  }
0x6e: {  	_ =	shalt  }
0x6f: {  	_ =	shalt  }
0x70: {  	_ =	shalt  }
0x71: {  	_ =	shalt  }
0x72: {  	_ =	shalt  }
0x73: {  	_ =	shalt  }
0x74: {  	_ =	shalt  }
0x75: {  	_ =	shalt  }
0x76: {  	_ =	shalt  }
0x77: {  	_ =	shalt  }
0x78: {  	_ =	shalt  }
0x79: {  	_ =	shalt  }
0x7a: {  	_ =	shalt  }
0x7b: {  	_ =	shalt  }
0x7c: {  	_ =	shalt  }
0x7d: {  	_ =	shalt  }
0x7e: {  	_ =	shalt  }
0x7f: {  	_ =	shalt  }
0x80: {  	_ =	shalt  }
0x81: {  	_ =	shalt  }
0x82: {  	_ =	shalt  }
0x83: {  	_ =	shalt  }
0x84: {  	_ =	shalt  }
0x85: {  	_ =	shalt  }
0x86: {  	_ =	shalt  }
0x87: {  	_ =	shalt  }
.Lfunc_end0:
.L_simem_size_0:
called_computation.2_lowered:
.L_overlay_start_0:
0x88: {  	s2 =	sld [smem:$0x3FD9]  }
0x89: {  	s3 =	sld [smem:$0x3FFE];
	_ =	sdelay $0x1  }
0x8a: {  	s1 =	srdreg.scid  }
0x8b: {  	s0 =	sand.u32 $0x1, s1  }
0x8c: {  	s16 =	sshll.u32 s0, $0xA;
	s2 =	sadd.s32 s3, s2  }
0x8d: {  	s2 =	sadd.s32 s2, s16  }
0x8e: {  	[smem:$0x3FC2] =	sst s2  }
0x8f: {  	_ = 	snop  }
0x90: {  	(tm) =	ssettm $0x1  }
0x91: {  	s17 =	sld [smem:$0x3FFB];
	_ =	sdelay $0x3  }
0x92: {  	_ =	strace s17  }
0x93: {  	s2 =	sld [smem:$0x3FFC];
	_ =	sdelay $0x3  }
0x94: {  	_ =	strace s2  }
0x95: {  	s2 =	sld [smem:$0x3FFD];
	_ =	sdelay $0x3  }
0x96: {  	_ =	strace s2  }
0x97: {  	_ =	strace $0x8FFFFFFF  }
0x98: {  	s18 =	sld [smem:$0x3FDB];
	_ =	sdelay $0x1  }
0x99: {  	s19 =	simm.s32 $_scs_section_size  }
0x9a: {  	s4 =	simm.s32 $_size__tile_overlayer_lowered;
	s5 =	simm.s32 $_tile_overlayer_lowered  }
0x9b: {  	s22 =	simm.s32 $0x1BFF;
	s21 =	sshll.u32 s5, $0x1;
	s2 =	sadd.s32 s19, s18  }
0x9c: {  	s6 =	simm.s32 $0x0;
	s20 =	sshll.u32 s4, $0x1;
	s4 =	sadd.s32 s21, s2  }
0x9d: {  	[timem:s6], [sflag:s22] =	dma.local [hbm:s4], s20  }
0x9e: {  	_ =	swait.ge [sflag:s22], s20  }
0x9f: {  	s3 =	ssub.s32 $0x0, s20;
	[sflag:s22] =	ssyncset.done $0x0  }
0xa0: {  	[sflag:s22] =	ssyncadd.s32 s3;
	_ =	sdelay $0x1  }
0xa1: {  	s23 =	simm.s32 $0x1B8B  }
0xa2: {  	_ =	swait.ge [sflag:s23], $0x1  }
0xa3: {  	[sflag:s23] =	ssyncset.done $0x0  }
0xa4: {  	s25 =	simm.s32 $0x1B8E;
	s24 =	sld [smem:$0x3FFE];
	[sflag:s23] =	ssyncadd.s32 $0xFFFFFFFF  }
0xa5: {  	s26 =	simm.s32 $execute0_lowered;
	[smem:$0x3FD2] =	sst s25  }
0xa6: {  	s4 =	sshll.u32 s26, $0x1;
	_ =	strace $0x8000004C;
	[dreg:$0x1] =	wrdreg $0xFFFFFFFF  }
0xa7: {  	s28 =	simm.s32 $_size_execute0_lowered;
	s2 =	sadd.s32 s2, s4;
	[dreg:$0x0] =	wrdreg $0x0  }
0xa8: {  	s4 =	sshll.u32 s28, $0x1;
	[dreg:$0x2] =	wrdreg s2  }
0xa9: {  	[dreg:$0x3] =	wrdreg s4  }
0xaa: {  	[dreg:$0x4] =	wrdreg $0xC0  }
0xab: {  	_ =	task [dreg:s6], $0x5FFFF  }
0xac: {  	[dreg:$0x1] =	wrdreg $0xFFFFFFFF  }
0xad: {  	[dreg:$0x0] =	wrdreg $0x60  }
0xae: {  	[dreg:$0x2] =	wrdreg s24  }
0xaf: {  	[dreg:$0x3] =	wrdreg $0xA8000  }
0xb0: {  	[dreg:$0x4] =	wrdreg $0x9  }
0xb1: {  	_ =	task.clear_ibuf [dreg:s6], $0x5FFFF;
	_ =	strace $0x9000004C  }
0xb2: {  	s29 =	simm.s32 $0x9;
	_ =	strace $0x8000004E  }
0xb3: {  	_ =	swait.ge [sflag:s29], $0x1  }
0xb4: {  	[sflag:s29] =	ssyncadd.s32 $0xFFFFFFFF  }
0xb5: {  	_ =	strace $0x9000004E  }
0xb6: {  	_ =	sfence  }
0xb7: {  	s30 =	sld [smem:$0x0];
	_ =	sdelay $0x2  }
0xb8: {  	s31 =	sshll.u32 s1, $0xD;
	s1 =	sshrl.u32 s1, $0x2  }
0xb9: {  	s3 =	sand.u32 $0x4000, s31;
	s1 =	sadd.s32 s1, s30  }
0xba: {  	s0 =	sor.u32 s3, s0;
	s1 =	sshll.u32 s1, $0x11  }
0xbb: {  	s0 =	sor.u32 s1, s0  }
0xbc: {  	s0 =	sadd.s32 $0x8F2B, s0  }
0xbd: {  	[sflag:s0] =	ssyncadd.remote.s32 $0x1  }
0xbe: {  	_ =	sfence.sel $0xFFFF  }
0xbf: {  	[dreg:$0x0] =	wrdreg $0xFFFFFFFF;
	(pc) =	sbr.abs _section_cstart, $3  }
0xc0: {  	[dreg:$0x1] =	wrdreg $0xFFFFFFFF  }
0xc1: {  	_ =	task.clear_ibuf [dreg:s6], $0x2FFFF;
	_ =	strace $0x9FFFFFFF  }
0xc2: {  	(tm) =	ssettm $0x7FFFFFFF  }
0xc3: {  	_ =	shalt  }
tec
execute0_lowered:
.L_overlay_start_1:
0x0: {  	(tag) =	ssettag $0x1  }
0x1: {  	s6 =	rddreg [dreg:$0x0]  }
0x2: {  	s1 =	rddreg [dreg:$0x1]  }
0x3: {  	s0 =	rddreg [dreg:$0x2];
	s2 =	simm.s32 $0x0;
	s3 =	srdreg.scid  }
0x4: {  	s17 =	simm.s32 $0x3;
	s18 =	simm.s32 $0x80;
	s19 =	simm.s32 $0x2800  }
0x5: {  	s20 =	simm.s32 $0x1400;
	s21 =	simm.s32 $0x6800;
	s22 =	simm.s32 $0x1  }
0x6: {  	s23 =	simm.s32 $0x2;
	s24 =	simm.s32 $0x1380;
	s25 =	simm.s32 $0x2700  }
0x7: {  	s28 =	simm.s32 $0x0;
	[smem:$0x7FF] =	sst s2;
	s7 =	sand.u32 $0x1, s3  }
0x8: {  	s4 =	sadd.s32 $0x66600, s6;
	s3 =	stileid.u32;
	s9 =	sadd.s32 $0xC600, s6  }
0x9: {  	s12 =	sadd.s32 $0x2600, s6;
	s5 =	sadd.s32 $0x8E600, s6;
	s8 =	smul.u32 $0x140000, s7  }
0xa: {  	_ =	strace $0x8000004D;
	s10 =	smul.u32 $0x14000, s3;
	s11 =	sshll.u32 s3, $0x1  }
0xb: {  	s13 =	smul.u32 $0x50000, s3;
	s11 =	sor.u32 s7, s11;
	s7 =	ssub.s32 $0x2, s7  }
0xc: {  	s8 =	sadd.s32 s10, s8;
	s26 =	smul.u32 $0x2800, s11;
	s29 =	sshrl.u32 s7, $0x1  }
0xd: {  	s31 =	sshrl.u32 s13, $0x2;
	s8 =	sshrl.u32 s8, $0x3;
	s15 =	ssub.s32 s7, s29  }
0xe: {  	s14 =	sadd.s32 s8, s6;
	s30 =	sshrl.u32 s26, $0x3;
	s8 =	sadd.s32 s31, s1  }
0xf: {  	s26 =	simm.s32 $0x2780;
	s6 =	sadd.s32 s9, s30;
	s10 =	sadd.s32 $0x280, s30  }
0x10: {  	s7 =	sadd.s32 s12, s30;
	s11 =	sadd.s32 $0x8EE00, s14;
	s13 =	sadd.s32 $0x4000, s8  }
0x11: {  	s14 =	sadd.s32 $0x8000, s8;
	s16 =	sadd.s32 $0x10000, s8;
	s9 =	sadd.s32 s9, s10  }
0x12: {  	s10 =	sadd.s32 s12, s10;
	s12 =	smax.u32 s15, $0x1;
	s15 =	sadd.s32 $0xC000, s8  }
.LBB2_1:
0x13: {  	[tilespmem:s2], [sflag:$0x3] =	stream.linear.gather [hbm4b:s6+s2], $0x1400, $0x38;
	[tilespmem:$0x1E800] =	vst v63  }
0x14: {  	_ =	swait.ge [sflag:s17], $0x1400  }
0x15: {  	[sflag:s17] =	ssyncset.done $0x0  }
0x16: {  	[sflag:s17] =	ssyncadd.s32 $0xFFFFEC00  }
0x17: {  	[tilespmem:s19], [sflag:$0x1] =	stream.indirect.gather [hbm4b:s4+s18], $0x80, s2, s18, $0xb8;
	[tilespmem:$0x1E800] =	vst v63  }
0x18: {  	_ = 	snop  }
0x19: {  	[tilespmem:s20], [sflag:$0x3] =	stream.linear.gather [hbm4b:s7+s2], $0x1400, $0x38;
	[tilespmem:$0x1E800] =	vst v63  }
0x1a: {  	_ =	swait.ge [sflag:s17], $0x1400  }
0x1b: {  	[sflag:s17] =	ssyncset.done $0x0  }
0x1c: {  	[sflag:s17] =	ssyncadd.s32 $0xFFFFEC00  }
0x1d: {  	[tilespmem:s21], [sflag:$0x3] =	stream.linear.gather [hbm4b:s5+s2], $0x4000, $0x38;
	[tilespmem:$0x1E800] =	vst v63  }
0x1e: {  	_ =	swait.ge [sflag:s17], $0x4000  }
0x1f: {  	[sflag:s17] =	ssyncset.done $0x0  }
0x20: {  	[sflag:s17] =	ssyncadd.s32 $0xFFFFC000  }
0x21: {  	[spmem:s8] =	stream.linear.scatter [tilespmem:s21], [sflag:$0x3], $0x4000, $0x38;
	[tilespmem:$0x1E800] =	vst v63  }
0x22: {  	_ =	swait.ge [sflag:s17], $0x4000  }
0x23: {  	[sflag:s17] =	ssyncset.done $0x0  }
0x24: {  	[sflag:s17] =	ssyncadd.s32 $0xFFFFC000  }
0x25: {  	[spmem:s13] =	stream.linear.scatter [tilespmem:s21], [sflag:$0x3], $0x4000, $0x38;
	[tilespmem:$0x1E800] =	vst v63  }
0x26: {  	_ =	swait.ge [sflag:s17], $0x4000  }
0x27: {  	[sflag:s17] =	ssyncset.done $0x0  }
0x28: {  	[sflag:s17] =	ssyncadd.s32 $0xFFFFC000  }
0x29: {  	[spmem:s14] =	stream.linear.scatter [tilespmem:s21], [sflag:$0x3], $0x4000, $0x38;
	[tilespmem:$0x1E800] =	vst v63  }
0x2a: {  	_ =	swait.ge [sflag:s17], $0x4000  }
0x2b: {  	[sflag:s17] =	ssyncset.done $0x0  }
0x2c: {  	[sflag:s17] =	ssyncadd.s32 $0xFFFFC000  }
0x2d: {  	[spmem:s15] =	stream.linear.scatter [tilespmem:s21], [sflag:$0x3], $0x4000, $0x38;
	[tilespmem:$0x1E800] =	vst v63  }
0x2e: {  	_ =	swait.ge [sflag:s17], $0x4000  }
0x2f: {  	[sflag:s17] =	ssyncset.done $0x0  }
0x30: {  	[sflag:s17] =	ssyncadd.s32 $0xFFFFC000  }
0x31: {  	[spmem:s16] =	stream.linear.scatter [tilespmem:s21], [sflag:$0x3], $0x4000, $0x38;
	[tilespmem:$0x1E800] =	vst v63  }
0x32: {  	_ =	swait.ge [sflag:s17], $0x4000  }
0x33: {  	[sflag:s17] =	ssyncset.done $0x0  }
0x34: {  	[sflag:s17] =	ssyncadd.s32 $0xFFFFC000  }
0x35: {  	[bflag:$0x0] =	sbarrier.arrive $0xFFFF  }
0x36: {  	_ =	swait.ge [sflag:s22], $0x4000  }
0x37: {  	[sflag:s22] =	ssyncset.done $0x0  }
0x38: {  	s29 =	simm.s32 $0x80;
	[sflag:s22] =	ssyncadd.s32 $0xFFFFC000  }
0x39: {  	[tilespmem:s21], [sflag:$0x2] =	stream.indirect.gather [hbm4b:s4+s18], $0x80, s29, s18, $0xb8;
	[tilespmem:$0x1E800] =	vst v63  }
0x3a: {  	s29 =	simm.s32 $0x1400  }
0x3b: {  	[spmem:s1] =	stream.indirect.scatter.add.f32 [tilespmem:s19], [sflag:$0x3], $0x80, s29, s18, $0xb8;
	[tilespmem:$0x1E800] =	vst v63  }
0x3c: {  	_ =	swait.ge [sflag:s17], $0x4000  }
0x3d: {  	[sflag:s17] =	ssyncset.done $0x0  }
0x3e: {  	s29 =	simm.s32 $0x100;
	[sflag:s17] =	ssyncadd.s32 $0xFFFFC000  }
0x3f: {  	[tilespmem:s19], [sflag:$0x1] =	stream.indirect.gather [hbm4b:s4+s18], $0x80, s29, s18, $0xb8;
	[tilespmem:$0x1E800] =	vst v63  }
0x40: {  	_ =	swait.ge [sflag:s23], $0x4000  }
0x41: {  	[sflag:s23] =	ssyncset.done $0x0  }
0x42: {  	s29 =	simm.s32 $0x1480;
	[sflag:s23] =	ssyncadd.s32 $0xFFFFC000  }
0x43: {  	[spmem:s1] =	stream.indirect.scatter.add.f32 [tilespmem:s21], [sflag:$0x3], $0x80, s29, s18, $0xb8;
	[tilespmem:$0x1E800] =	vst v63  }
0x44: {  	_ =	swait.ge [sflag:s17], $0x4000  }
0x45: {  	s29 =	simm.s32 $0x400;
	[sflag:s17] =	ssyncset.done $0x0  }
.LBB2_2:
0x46: {  	p0 =	sne.s32 s29, $0x4800  }
0x47: {  	[sflag:s17] =	ssyncadd.s32 $0xFFFFC000;
	s30 =	smov.u32 s29;
	s29 =	sadd.s32 $0x400, s29  }
0x48: {  	_ =	swait.ge [sflag:s22], $0x4000  }
0x49: {  	s30 =	sshra.s32 s30, $0x2;
	[sflag:s22] =	ssyncset.done $0x0  }
0x4a: {  	s31 =	sadd.s32 $0x80, s30;
	[sflag:s22] =	ssyncadd.s32 $0xFFFFC000  }
0x4b: {  	[tilespmem:s21], [sflag:$0x2] =	stream.indirect.gather [hbm4b:s4+s18], $0x80, s31, s18, $0xb8;
	[tilespmem:$0x1E800] =	vst v63  }
0x4c: {  	s31 =	sadd.s32 $0x1400, s30  }
0x4d: {  	[spmem:s1] =	stream.indirect.scatter.add.f32 [tilespmem:s19], [sflag:$0x3], $0x80, s31, s18, $0xb8;
	[tilespmem:$0x1E800] =	vst v63  }
0x4e: {  	_ =	swait.ge [sflag:s17], $0x4000  }
0x4f: {  	[sflag:s17] =	ssyncset.done $0x0  }
0x50: {  	s31 =	sadd.s32 $0x100, s30;
	[sflag:s17] =	ssyncadd.s32 $0xFFFFC000  }
0x51: {  	[tilespmem:s19], [sflag:$0x1] =	stream.indirect.gather [hbm4b:s4+s18], $0x80, s31, s18, $0xb8;
	[tilespmem:$0x1E800] =	vst v63  }
0x52: {  	_ =	swait.ge [sflag:s23], $0x4000  }
.Ltmp0:
0x53: {  	[sflag:s23] =	ssyncset.done $0x0;
	(pc) =	sbr.rel @p0 .LBB2_2-.Ltmp0, $4  }
0x54: {  	s30 =	sadd.s32 $0x1480, s30;
	[sflag:s23] =	ssyncadd.s32 $0xFFFFC000  }
0x55: {  	[spmem:s1] =	stream.indirect.scatter.add.f32 [tilespmem:s21], [sflag:$0x3], $0x80, s30, s18, $0xb8;
	[tilespmem:$0x1E800] =	vst v63  }
0x56: {  	_ =	swait.ge [sflag:s17], $0x4000  }
0x57: {  	[sflag:s17] =	ssyncset.done $0x0  }
0x58: {  	[sflag:s17] =	ssyncadd.s32 $0xFFFFC000  }
0x59: {  	_ =	swait.ge [sflag:s22], $0x4000  }
0x5a: {  	[sflag:s22] =	ssyncset.done $0x0  }
0x5b: {  	[sflag:s22] =	ssyncadd.s32 $0xFFFFC000  }
0x5c: {  	[tilespmem:s21], [sflag:$0x2] =	stream.indirect.gather [hbm4b:s4+s18], $0x80, s24, s18, $0xb8;
	[tilespmem:$0x1E800] =	vst v63  }
0x5d: {  	_ = 	snop  }
0x5e: {  	[spmem:s1] =	stream.indirect.scatter.add.f32 [tilespmem:s19], [sflag:$0x3], $0x80, s25, s18, $0xb8;
	[tilespmem:$0x1E800] =	vst v63  }
0x5f: {  	_ =	swait.ge [sflag:s17], $0x4000  }
0x60: {  	[sflag:s17] =	ssyncset.done $0x0  }
0x61: {  	[sflag:s17] =	ssyncadd.s32 $0xFFFFC000  }
0x62: {  	_ =	swait.ge [sflag:s23], $0x4000  }
0x63: {  	[sflag:s23] =	ssyncset.done $0x0  }
0x64: {  	[sflag:s23] =	ssyncadd.s32 $0xFFFFC000  }
0x65: {  	[spmem:s1] =	stream.indirect.scatter.add.f32 [tilespmem:s21], [sflag:$0x3], $0x80, s26, s18, $0xb8;
	[tilespmem:$0x1E800] =	vst v63  }
0x66: {  	_ =	swait.ge [sflag:s17], $0x4000  }
0x67: {  	[sflag:s17] =	ssyncset.done $0x0  }
0x68: {  	s29 =	simm.s32 $0x0;
	[sflag:s17] =	ssyncadd.s32 $0xFFFFC000  }
0x69: {  	[tilespmem:s29], [sflag:$0x3] =	stream.linear.gather [hbm4b:s9+s29], $0x1400, $0x38;
	[tilespmem:$0x1E800] =	vst v63  }
0x6a: {  	_ =	swait.ge [sflag:s17], $0x1400  }
0x6b: {  	[sflag:s17] =	ssyncset.done $0x0  }
0x6c: {  	[sflag:s17] =	ssyncadd.s32 $0xFFFFEC00  }
0x6d: {  	[tilespmem:s20], [sflag:$0x3] =	stream.linear.gather [hbm4b:s10+s29], $0x1400, $0x38;
	[tilespmem:$0x1E800] =	vst v63  }
0x6e: {  	_ =	swait.ge [sflag:s17], $0x1400  }
0x6f: {  	[sflag:s17] =	ssyncset.done $0x0  }
0x70: {  	[sflag:s17] =	ssyncadd.s32 $0xFFFFEC00  }
0x71: {  	[tilespmem:s19], [sflag:$0x1] =	stream.indirect.gather [hbm4b:s4+s18], $0x80, s29, s18, $0xb8;
	[tilespmem:$0x1E800] =	vst v63  }
0x72: {  	_ =	swait.ge [sflag:s22], $0x4000  }
0x73: {  	[sflag:s22] =	ssyncset.done $0x0  }
0x74: {  	s29 =	simm.s32 $0x80;
	[sflag:s22] =	ssyncadd.s32 $0xFFFFC000  }
0x75: {  	[tilespmem:s21], [sflag:$0x2] =	stream.indirect.gather [hbm4b:s4+s18], $0x80, s29, s18, $0xb8;
	[tilespmem:$0x1E800] =	vst v63  }
0x76: {  	s29 =	simm.s32 $0x1400  }
0x77: {  	[spmem:s1] =	stream.indirect.scatter.add.f32 [tilespmem:s19], [sflag:$0x3], $0x80, s29, s18, $0xb8;
	[tilespmem:$0x1E800] =	vst v63  }
0x78: {  	_ =	swait.ge [sflag:s17], $0x4000  }
0x79: {  	[sflag:s17] =	ssyncset.done $0x0  }
0x7a: {  	s29 =	simm.s32 $0x100;
	[sflag:s17] =	ssyncadd.s32 $0xFFFFC000  }
0x7b: {  	[tilespmem:s19], [sflag:$0x1] =	stream.indirect.gather [hbm4b:s4+s18], $0x80, s29, s18, $0xb8;
	[tilespmem:$0x1E800] =	vst v63  }
0x7c: {  	_ =	swait.ge [sflag:s23], $0x4000  }
0x7d: {  	[sflag:s23] =	ssyncset.done $0x0  }
0x7e: {  	s29 =	simm.s32 $0x1480;
	[sflag:s23] =	ssyncadd.s32 $0xFFFFC000  }
0x7f: {  	[spmem:s1] =	stream.indirect.scatter.add.f32 [tilespmem:s21], [sflag:$0x3], $0x80, s29, s18, $0xb8;
	[tilespmem:$0x1E800] =	vst v63  }
0x80: {  	_ =	swait.ge [sflag:s17], $0x4000  }
0x81: {  	s29 =	simm.s32 $0x400;
	[sflag:s17] =	ssyncset.done $0x0  }
.LBB2_4:
0x82: {  	p0 =	sne.s32 s29, $0x4800  }
0x83: {  	[sflag:s17] =	ssyncadd.s32 $0xFFFFC000;
	s30 =	smov.u32 s29;
	s29 =	sadd.s32 $0x400, s29  }
0x84: {  	_ =	swait.ge [sflag:s22], $0x4000  }
0x85: {  	s30 =	sshra.s32 s30, $0x2;
	[sflag:s22] =	ssyncset.done $0x0  }
0x86: {  	s31 =	sadd.s32 $0x80, s30;
	[sflag:s22] =	ssyncadd.s32 $0xFFFFC000  }
0x87: {  	[tilespmem:s21], [sflag:$0x2] =	stream.indirect.gather [hbm4b:s4+s18], $0x80, s31, s18, $0xb8;
	[tilespmem:$0x1E800] =	vst v63  }
0x88: {  	s31 =	sadd.s32 $0x1400, s30  }
0x89: {  	[spmem:s1] =	stream.indirect.scatter.add.f32 [tilespmem:s19], [sflag:$0x3], $0x80, s31, s18, $0xb8;
	[tilespmem:$0x1E800] =	vst v63  }
0x8a: {  	_ =	swait.ge [sflag:s17], $0x4000  }
0x8b: {  	[sflag:s17] =	ssyncset.done $0x0  }
0x8c: {  	s31 =	sadd.s32 $0x100, s30;
	[sflag:s17] =	ssyncadd.s32 $0xFFFFC000  }
0x8d: {  	[tilespmem:s19], [sflag:$0x1] =	stream.indirect.gather [hbm4b:s4+s18], $0x80, s31, s18, $0xb8;
	[tilespmem:$0x1E800] =	vst v63  }
0x8e: {  	_ =	swait.ge [sflag:s23], $0x4000  }
.Ltmp1:
0x8f: {  	[sflag:s23] =	ssyncset.done $0x0;
	(pc) =	sbr.rel @p0 .LBB2_4-.Ltmp1, $4  }
0x90: {  	s30 =	sadd.s32 $0x1480, s30;
	[sflag:s23] =	ssyncadd.s32 $0xFFFFC000  }
0x91: {  	[spmem:s1] =	stream.indirect.scatter.add.f32 [tilespmem:s21], [sflag:$0x3], $0x80, s30, s18, $0xb8;
	[tilespmem:$0x1E800] =	vst v63  }
0x92: {  	_ =	swait.ge [sflag:s17], $0x4000  }
0x93: {  	[sflag:s17] =	ssyncset.done $0x0  }
0x94: {  	[sflag:s17] =	ssyncadd.s32 $0xFFFFC000  }
0x95: {  	_ =	swait.ge [sflag:s22], $0x4000  }
0x96: {  	[sflag:s22] =	ssyncset.done $0x0  }
0x97: {  	[sflag:s22] =	ssyncadd.s32 $0xFFFFC000  }
0x98: {  	[tilespmem:s21], [sflag:$0x2] =	stream.indirect.gather [hbm4b:s4+s18], $0x80, s24, s18, $0xb8;
	[tilespmem:$0x1E800] =	vst v63  }
0x99: {  	_ = 	snop  }
0x9a: {  	[spmem:s1] =	stream.indirect.scatter.add.f32 [tilespmem:s19], [sflag:$0x3], $0x80, s25, s18, $0xb8;
	[tilespmem:$0x1E800] =	vst v63  }
0x9b: {  	_ =	swait.ge [sflag:s17], $0x4000  }
0x9c: {  	[sflag:s17] =	ssyncset.done $0x0  }
0x9d: {  	[sflag:s17] =	ssyncadd.s32 $0xFFFFC000  }
0x9e: {  	_ =	swait.ge [sflag:s23], $0x4000  }
0x9f: {  	[sflag:s23] =	ssyncset.done $0x0  }
0xa0: {  	[sflag:s23] =	ssyncadd.s32 $0xFFFFC000  }
0xa1: {  	[spmem:s1] =	stream.indirect.scatter.add.f32 [tilespmem:s21], [sflag:$0x3], $0x80, s26, s18, $0xb8;
	[tilespmem:$0x1E800] =	vst v63  }
0xa2: {  	_ =	swait.ge [sflag:s17], $0x4000  }
0xa3: {  	s29 =	sshll.u32 s3, $0x6;
	s28 =	sadd.s32 $0x1, s28;
	[sflag:s17] =	ssyncset.done $0x0  }
0xa4: {  	s30 =	sshrl.u32 s8, $0x3;
	p0 =	sne.s32 s28, s12;
	[sflag:s17] =	ssyncadd.s32 $0xFFFFC000  }
.Ltmp2:
0xa5: {  	s29 =	sor.u32 $0x1C03, s29;
	[bflag:$0x0] =	sbarrier.arrive $0xFFFF;
	(pc) =	sbr.rel @p0 .LBB2_1-.Ltmp2, $4  }
0xa6: {  	[hbm:s11], [sflag:s29] =	dma.local [spmem:s30], $0x2800  }
0xa7: {  	_ =	swait.ge [sflag:s17], $0x2800  }
0xa8: {  	[sflag:s17] =	ssyncset.done $0x0  }
0xa9: {  	[sflag:s17] =	ssyncadd.s32 $0xFFFFD800  }
0xaa: {  	_ =	sfence.sel $0x180000  }
0xab: {  	[bflag:$0x0] =	sbarrier.arrive $0xFFFF  }
0xac: {  	p0 =	sne.s32 s3, $0x0;
	_ =	strace $0x9000004D  }
0xad: {  	s0 =	sadd.s32 @!p0 $0x100000, s0;
	[bflag:$0x2] =	sbarrier.arrive $0xFFFF  }
0xae: {  	[sflag:s0] =	ssyncadd.tile.s32 @!p0 $0x1;
	_ =	shalt  }
.Lfunc_end2:
_tile_overlayer_lowered:
.L_overlay_start_2:
0xaf: {  	(tag) =	ssettag $0x2  }
0xb0: {  	s0 =	rddreg [dreg:$0x0];
	s2 =	stileid.u32  }
0xb1: {  	s1 =	rddreg [dreg:$0x1];
	p0 =	sne.s32 s2, $0x0  }
0xb2: {  	s3 =	rddreg [dreg:$0x2];
	[bflag:$0x3] =	sbarrier.arrive $0xFFFF;
	s2 =	simm.s32 @!p0 $0x1C03  }
0xb3: {  	[timem:s3], [sflag:s2] =	dma.local @!p0 [hbm:s0], s1  }
0xb4: {  	s0 =	simm.s32 @!p0 $0x3  }
0xb5: {  	_ =	swait.ge @!p0 [sflag:s0], s1  }
0xb6: {  	s1 =	ssub.s32 @!p0 $0x0, s1;
	[sflag:s0] =	ssyncset.done @!p0 $0x0  }
0xb7: {  	[sflag:s0] =	ssyncadd.s32 @!p0 s1  }
0xb8: {  	[bflag:$0x3] =	sbarrier.arrive $0xFFFF  }
0xb9: {  	_ =	shalt  }

// kernel: kernel.8.cloned.1.call-start
scs
__scs_entry_jumppad:
0x0: {  	(pc) =	sbr.rel $0x88, $3  }
0x1: {  	(tag) =	ssettag $0x0;
	lr =	simm.s32 $0x1  }
0x2: {  	[smem:$0x3F9B] =	sst lr;
	_ =	strace $0xD0000000  }
0x3: {  	_ = 	snop  }
0x4: {  	_ = 	snop  }
0x5: {  	_ = 	snop  }
0x6: {  	_ = 	snop  }
0x7: {  	_ = 	snop  }
__scs_overlays_trampoline_lowered:
0x8: {  	[smem:$0x3FAA] =	sst s0  }
0x9: {  	[smem:$0x3FAB] =	sst s1  }
0xa: {  	[smem:$0x3FAC] =	sst s2  }
0xb: {  	[smem:$0x3FAD] =	sst s3  }
0xc: {  	[smem:$0x3FAE] =	sst s4  }
0xd: {  	[smem:$0x3FAF] =	sst s5  }
0xe: {  	[smem:$0x3FB0] =	sst s6  }
0xf: {  	[smem:$0x3FB1] =	sst s7  }
0x10: {  	[smem:$0x3FB2] =	sst s8  }
0x11: {  	[smem:$0x3FB3] =	sst s9;
	s0 =	simm.s32 @!p0 $0x0  }
0x12: {  	s1 =	sld [smem:$0x3F99];
	s0 =	simm.s32 @p0 $0x1  }
0x13: {  	[smem:$0x3FB4] =	sst s0;
	s0 =	simm.s32 @!p1 $0x0  }
0x14: {  	s2 =	sld [smem:$0x3F98];
	s0 =	simm.s32 @p1 $0x1  }
0x15: {  	[smem:$0x3FB5] =	sst s0;
	s0 =	simm.s32 @!p2 $0x0  }
0x16: {  	s3 =	sld [smem:$0x3FDB];
	s0 =	simm.s32 @p2 $0x1  }
0x17: {  	s4 =	simm.s32 $0x1BF5;
	[smem:$0x3FB7] =	sst s0  }
0x18: {  	s0 =	sld [smem:$0x3F9A];
	_ =	swait.ge [sflag:s4], $0x0  }
0x19: {  	s7 =	sld [smem:$0x3F9B]  }
0x1a: {  	s8 =	sadd.s32 $0xFFFFE003, lr  }
0x1b: {  	s9 =	sadd.s32 $0xFFFFFEF7, lr;
	s5 =	simm.s32 $0xFFFFFFFF;
	p2 =	slt.u32 s8, $0xFFFFF086  }
0x1c: {  	p1 =	slt.u32 s9, $0xF7A;
	s5 =	simm.s32 @!p2 $0x0  }
0x1d: {  	s5 =	simm.s32 @p1 $0x1;
	p0 =	seq.s32 s7, s2  }
0x1e: {  	s7 =	smul.u32 @!p0 $0xF7A, s2;
	p2 =	seq.s32 @!p0 s5, $0x0  }
0x1f: {  	s9 =	smul.u32 $0xF7A, s1;
	s8 =	simm.s32 @!p0 $0x1BF5;
	p2 =	por !p2, p0  }
0x20: {  	[sflag:s8] =	ssyncset.s32 @!p0 $0xFFFFF086;
	s6 =	sadd.s32 @!p0 s3, s7;
	s7 =	simm.s32 @!p0 $0x108  }
0x21: {  	s3 =	sadd.s32 s3, s9;
	s6 =	sadd.s32 @!p0 $0x88, s6;
	s7 =	simm.s32 @p2 $0x1082  }
0x22: {  	[simem:s7], [sflag:s8] =	dma.local @!p0 [hbm:s6], $0xF7A  }
0x23: {  	s9 =	sor.u32 $0xD0000000, s2;
	s6 =	simm.s32 $0x108;
	_ =	swait.ge @!p0 [sflag:s8], $0x0  }
0x24: {  	s3 =	sadd.s32 $0x88, s3;
	s6 =	simm.s32 @!p1 $0x1082;
	[sflag:s4] =	ssyncset.s32 $0xFFFFF086  }
0x25: {  	[simem:s6], [sflag:s4] =	dma.local [hbm:s3], $0xF7A  }
0x26: {  	[smem:$0x3F9B] =	sst s1;
	(tag) =	ssettag s2;
	_ =	strace s9  }
0x27: {  	s1 =	sld [smem:$0x3FAB]  }
0x28: {  	s2 =	sld [smem:$0x3FAC]  }
0x29: {  	s4 =	sld [smem:$0x3FAE]  }
0x2a: {  	p0 =	seq.s32 s5, $0x0;
	s5 =	sld [smem:$0x3FAF]  }
0x2b: {  	s6 =	sld [smem:$0x3FB0]  }
0x2c: {  	s7 =	sld [smem:$0x3FB1]  }
0x2d: {  	s3 =	simm.s32 $0x108;
	s8 =	sld [smem:$0x3FB2]  }
0x2e: {  	s3 =	simm.s32 @!p0 $0x1082;
	s9 =	sld [smem:$0x3FB3]  }
0x2f: {  	lr =	sadd.s32 s0, s3;
	s0 =	sld [smem:$0x3FAA]  }
0x30: {  	s3 =	sld [smem:$0x3FAD]  }
0x31: {  	[smem:$0x3FB6] =	sst s10  }
0x32: {  	s10 =	sld [smem:$0x3FB4];
	_ =	sdelay $0x3  }
0x33: {  	p0 =	seq.s32 s10, $0x1;
	s10 =	sld [smem:$0x3FB6];
	_ =	sdelay $0x3  }
0x34: {  	[smem:$0x3FB6] =	sst s10  }
0x35: {  	s10 =	sld [smem:$0x3FB5];
	_ =	sdelay $0x3  }
0x36: {  	p1 =	seq.s32 s10, $0x1;
	s10 =	sld [smem:$0x3FB6];
	_ =	sdelay $0x3  }
0x37: {  	[smem:$0x3FB6] =	sst s10  }
0x38: {  	s10 =	sld [smem:$0x3FB7]  }
0x39: {  	_ = 	snop;
	(pc) =	sbr.ind lr, $3  }
0x3a: {  	_ = 	snop  }
0x3b: {  	_ = 	snop  }
0x3c: {  	p2 =	seq.s32 s10, $0x1;
	s10 =	sld [smem:$0x3FB6]  }
0x3d: {  	_ =	shalt  }
0x3e: {  	_ =	shalt  }
0x3f: {  	_ =	shalt  }
0x40: {  	_ =	shalt  }
0x41: {  	_ =	shalt  }
0x42: {  	_ =	shalt  }
0x43: {  	_ =	shalt  }
0x44: {  	_ =	shalt  }
0x45: {  	_ =	shalt  }
0x46: {  	_ =	shalt  }
0x47: {  	_ =	shalt  }
0x48: {  	_ =	shalt  }
0x49: {  	_ =	shalt  }
0x4a: {  	_ =	shalt  }
0x4b: {  	_ =	shalt  }
0x4c: {  	_ =	shalt  }
0x4d: {  	_ =	shalt  }
0x4e: {  	_ =	shalt  }
0x4f: {  	_ =	shalt  }
0x50: {  	_ =	shalt  }
0x51: {  	_ =	shalt  }
0x52: {  	_ =	shalt  }
0x53: {  	_ =	shalt  }
0x54: {  	_ =	shalt  }
0x55: {  	_ =	shalt  }
0x56: {  	_ =	shalt  }
0x57: {  	_ =	shalt  }
0x58: {  	_ =	shalt  }
0x59: {  	_ =	shalt  }
0x5a: {  	_ =	shalt  }
0x5b: {  	_ =	shalt  }
0x5c: {  	_ =	shalt  }
0x5d: {  	_ =	shalt  }
0x5e: {  	_ =	shalt  }
0x5f: {  	_ =	shalt  }
0x60: {  	_ =	shalt  }
0x61: {  	_ =	shalt  }
0x62: {  	_ =	shalt  }
0x63: {  	_ =	shalt  }
0x64: {  	_ =	shalt  }
0x65: {  	_ =	shalt  }
0x66: {  	_ =	shalt  }
0x67: {  	_ =	shalt  }
0x68: {  	_ =	shalt  }
0x69: {  	_ =	shalt  }
0x6a: {  	_ =	shalt  }
0x6b: {  	_ =	shalt  }
0x6c: {  	_ =	shalt  }
0x6d: {  	_ =	shalt  }
0x6e: {  	_ =	shalt  }
0x6f: {  	_ =	shalt  }
0x70: {  	_ =	shalt  }
0x71: {  	_ =	shalt  }
0x72: {  	_ =	shalt  }
0x73: {  	_ =	shalt  }
0x74: {  	_ =	shalt  }
0x75: {  	_ =	shalt  }
0x76: {  	_ =	shalt  }
0x77: {  	_ =	shalt  }
0x78: {  	_ =	shalt  }
0x79: {  	_ =	shalt  }
0x7a: {  	_ =	shalt  }
0x7b: {  	_ =	shalt  }
0x7c: {  	_ =	shalt  }
0x7d: {  	_ =	shalt  }
0x7e: {  	_ =	shalt  }
0x7f: {  	_ =	shalt  }
0x80: {  	_ =	shalt  }
0x81: {  	_ =	shalt  }
0x82: {  	_ =	shalt  }
0x83: {  	_ =	shalt  }
0x84: {  	_ =	shalt  }
0x85: {  	_ =	shalt  }
0x86: {  	_ =	shalt  }
0x87: {  	_ =	shalt  }
.Lfunc_end0:
.L_simem_size_0:
called_computation_lowered:
.L_overlay_start_0:
0x88: {  	s2 =	sld [smem:$0x3FD9]  }
0x89: {  	s3 =	sld [smem:$0x3FFE];
	_ =	sdelay $0x1  }
0x8a: {  	s1 =	srdreg.scid  }
0x8b: {  	s0 =	sand.u32 $0x1, s1  }
0x8c: {  	s16 =	sshll.u32 s0, $0xA;
	s2 =	sadd.s32 s3, s2  }
0x8d: {  	s2 =	sadd.s32 s2, s16  }
0x8e: {  	[smem:$0x3FC2] =	sst s2  }
0x8f: {  	_ = 	snop  }
0x90: {  	(tm) =	ssettm $0x1  }
0x91: {  	s17 =	sld [smem:$0x3FFB];
	_ =	sdelay $0x3  }
0x92: {  	_ =	strace s17  }
0x93: {  	s2 =	sld [smem:$0x3FFC];
	_ =	sdelay $0x3  }
0x94: {  	_ =	strace s2  }
0x95: {  	s2 =	sld [smem:$0x3FFD];
	_ =	sdelay $0x3  }
0x96: {  	_ =	strace s2  }
0x97: {  	_ =	strace $0x8FFFFFFF  }
0x98: {  	s18 =	sld [smem:$0x3FDB];
	_ =	sdelay $0x1  }
0x99: {  	s19 =	simm.s32 $_scs_section_size  }
0x9a: {  	s4 =	simm.s32 $_size__tile_overlayer_lowered;
	s5 =	simm.s32 $_tile_overlayer_lowered  }
0x9b: {  	s22 =	simm.s32 $0x1BFF;
	s21 =	sshll.u32 s5, $0x1;
	s2 =	sadd.s32 s19, s18  }
0x9c: {  	s6 =	simm.s32 $0x0;
	s20 =	sshll.u32 s4, $0x1;
	s4 =	sadd.s32 s21, s2  }
0x9d: {  	[timem:s6], [sflag:s22] =	dma.local [hbm:s4], s20  }
0x9e: {  	_ =	swait.ge [sflag:s22], s20  }
0x9f: {  	s3 =	ssub.s32 $0x0, s20;
	[sflag:s22] =	ssyncset.done $0x0  }
0xa0: {  	[sflag:s22] =	ssyncadd.s32 s3;
	_ =	sdelay $0x1  }
0xa1: {  	s23 =	simm.s32 $0x1B8B  }
0xa2: {  	_ =	swait.ge [sflag:s23], $0x1  }
0xa3: {  	[sflag:s23] =	ssyncset.done $0x0  }
0xa4: {  	s25 =	simm.s32 $0x1B8E;
	s24 =	sld [smem:$0x3FFE];
	[sflag:s23] =	ssyncadd.s32 $0xFFFFFFFF  }
0xa5: {  	s26 =	simm.s32 $execute0_lowered;
	[smem:$0x3FD2] =	sst s25  }
0xa6: {  	s4 =	sshll.u32 s26, $0x1;
	_ =	strace $0x80000046;
	[dreg:$0x1] =	wrdreg $0xFFFFFFFF  }
0xa7: {  	s28 =	simm.s32 $_size_execute0_lowered;
	s2 =	sadd.s32 s2, s4;
	[dreg:$0x0] =	wrdreg $0x0  }
0xa8: {  	s4 =	sshll.u32 s28, $0x1;
	[dreg:$0x2] =	wrdreg s2  }
0xa9: {  	[dreg:$0x3] =	wrdreg s4  }
0xaa: {  	[dreg:$0x4] =	wrdreg $0xC0  }
0xab: {  	_ =	task [dreg:s6], $0x5FFFF  }
0xac: {  	[dreg:$0x1] =	wrdreg $0xFFFFFFFF  }
0xad: {  	[dreg:$0x0] =	wrdreg $0x60  }
0xae: {  	[dreg:$0x2] =	wrdreg s24  }
0xaf: {  	[dreg:$0x3] =	wrdreg $0x6C000  }
0xb0: {  	[dreg:$0x4] =	wrdreg $0x9  }
0xb1: {  	_ =	task.clear_ibuf [dreg:s6], $0x5FFFF;
	_ =	strace $0x90000046  }
0xb2: {  	s29 =	simm.s32 $0x9;
	_ =	strace $0x80000048  }
0xb3: {  	_ =	swait.ge [sflag:s29], $0x1  }
0xb4: {  	[sflag:s29] =	ssyncadd.s32 $0xFFFFFFFF  }
0xb5: {  	_ =	strace $0x90000048  }
0xb6: {  	_ =	sfence  }
0xb7: {  	s30 =	sld [smem:$0x0];
	_ =	sdelay $0x2  }
0xb8: {  	s31 =	sshll.u32 s1, $0xD;
	s1 =	sshrl.u32 s1, $0x2  }
0xb9: {  	s3 =	sand.u32 $0x4000, s31;
	s1 =	sadd.s32 s1, s30  }
0xba: {  	s0 =	sor.u32 s3, s0;
	s1 =	sshll.u32 s1, $0x11  }
0xbb: {  	s0 =	sor.u32 s1, s0  }
0xbc: {  	s0 =	sadd.s32 $0x8F2B, s0  }
0xbd: {  	[sflag:s0] =	ssyncadd.remote.s32 $0x1  }
0xbe: {  	_ =	sfence.sel $0xFFFF  }
0xbf: {  	[dreg:$0x0] =	wrdreg $0xFFFFFFFF;
	(pc) =	sbr.abs _section_cstart, $3  }
0xc0: {  	[dreg:$0x1] =	wrdreg $0xFFFFFFFF  }
0xc1: {  	_ =	task.clear_ibuf [dreg:s6], $0x2FFFF;
	_ =	strace $0x9FFFFFFF  }
0xc2: {  	(tm) =	ssettm $0x7FFFFFFF  }
0xc3: {  	_ =	shalt  }
tec
execute0_lowered:
.L_overlay_start_1:
0x0: {  	(tag) =	ssettag $0x1  }
0x1: {  	s1 =	srdreg.scid;
	s7 =	rddreg [dreg:$0x0]  }
0x2: {  	s0 =	stileid.u32;
	s2 =	rddreg [dreg:$0x1];
	s3 =	simm.s32 $0x0  }
0x3: {  	s12 =	simm.s32 $0x5000;
	s13 =	simm.s32 $0x3;
	s14 =	simm.s32 $0x5400  }
0x4: {  	s15 =	simm.s32 $0x5800;
	s16 =	simm.s32 $0x2800;
	s17 =	simm.s32 $0x80  }
0x5: {  	s18 =	simm.s32 $0x1;
	s19 =	simm.s32 $0x2;
	s22 =	simm.s32 $0x0  }
0x6: {  	s6 =	sand.u32 $0x1, s1;
	s30 =	sshll.u32 s0, $0x1;
	s8 =	smul.u32 $0x1400, s0  }
0x7: {  	[smem:$0x7FF] =	sst s3;
	s20 =	sshll.u32 s0, $0x6;
	s1 =	sor.u32 s6, s30  }
0x8: {  	s5 =	smul.u32 $0x14000, s6;
	s11 =	ssub.s32 $0x2, s6;
	s6 =	sadd.s32 $0x16600, s7  }
0x9: {  	s20 =	sor.u32 $0x1C03, s20;
	s4 =	smul.u32 $0x500, s1;
	s1 =	rddreg [dreg:$0x2]  }
0xa: {  	_ =	strace $0x80000047;
	s31 =	sshrl.u32 s11, $0x1;
	s10 =	sadd.s32 s8, s5  }
0xb: {  	s5 =	sadd.s32 $0x2200, s7;
	s11 =	ssub.s32 s11, s31;
	s9 =	sadd.s32 s4, s7  }
0xc: {  	s4 =	sadd.s32 $0x2400, s7;
	s10 =	sshrl.u32 s10, $0x3;
	s11 =	smax.u32 s11, $0x1  }
0xd: {  	s10 =	sadd.s32 s10, s7;
	s7 =	sadd.s32 s8, s2;
	s8 =	sadd.s32 $0xC600, s9  }
0xe: {  	s9 =	sadd.s32 $0x2600, s9;
	s10 =	sadd.s32 $0x16A00, s10;
	s21 =	sshrl.u32 s7, $0x3  }
.LBB2_1:
0xf: {  	[tilespmem:s12], [sflag:$0x3] =	stream.linear.gather [hbm4b:s4+s3], $0x400, $0x38;
	[tilespmem:$0x8000] =	vst v63  }
0x10: {  	_ =	swait.ge [sflag:s13], $0x400  }
0x11: {  	[sflag:s13] =	ssyncset.done $0x0  }
0x12: {  	[sflag:s13] =	ssyncadd.s32 $0xFFFFFC00  }
0x13: {  	[tilespmem:s14], [sflag:$0x3] =	stream.linear.gather [hbm4b:s5+s3], $0x400, $0x38;
	[tilespmem:$0x8000] =	vst v63  }
0x14: {  	_ =	swait.ge [sflag:s13], $0x400  }
0x15: {  	[sflag:s13] =	ssyncset.done $0x0  }
0x16: {  	[sflag:s13] =	ssyncadd.s32 $0xFFFFFC00  }
0x17: {  	[tilespmem:s15], [sflag:$0x3] =	stream.linear.gather [hbm4b:s6+s3], $0x1400, $0x38;
	[tilespmem:$0x8000] =	vst v63  }
0x18: {  	_ =	swait.ge [sflag:s13], $0x1400  }
0x19: {  	[sflag:s13] =	ssyncset.done $0x0  }
0x1a: {  	[sflag:s13] =	ssyncadd.s32 $0xFFFFEC00  }
0x1b: {  	[spmem:s7] =	stream.linear.scatter [tilespmem:s15], [sflag:$0x3], $0x1400, $0x38;
	[tilespmem:$0x8000] =	vst v63  }
0x1c: {  	_ =	swait.ge [sflag:s13], $0x1400  }
0x1d: {  	[sflag:s13] =	ssyncset.done $0x0  }
0x1e: {  	[sflag:s13] =	ssyncadd.s32 $0xFFFFEC00  }
0x1f: {  	[bflag:$0x0] =	sbarrier.arrive $0xFFFF  }
0x20: {  	[tilespmem:s3], [sflag:$0x3] =	stream.linear.gather [hbm4b:s8+s3], $0x2800, $0x38;
	[tilespmem:$0x8000] =	vst v63  }
0x21: {  	_ =	swait.ge [sflag:s13], $0x2800  }
0x22: {  	[sflag:s13] =	ssyncset.done $0x0  }
0x23: {  	[sflag:s13] =	ssyncadd.s32 $0xFFFFD800  }
0x24: {  	[tilespmem:s16], [sflag:$0x3] =	stream.linear.gather [hbm4b:s9+s3], $0x2800, $0x38;
	[tilespmem:$0x8000] =	vst v63  }
0x25: {  	_ =	swait.ge [sflag:s13], $0x2800  }
0x26: {  	[sflag:s13] =	ssyncset.done $0x0  }
0x27: {  	s23 =	simm.s32 $0x0;
	[sflag:s13] =	ssyncadd.s32 $0xFFFFD800  }
0x28: {  	[spmem:s2] =	stream.indirect.scatter.add.f32 [tilespmem:s12], [sflag:$0x1], $0x8, s23, s17, $0xb8;
	[tilespmem:$0x8000] =	vst v63  }
0x29: {  	s24 =	simm.s32 $0x2800;
	s23 =	simm.s32 $0x200  }
.LBB2_2:
0x2a: {  	[spmem:s2] =	stream.indirect.scatter.add.f32 [tilespmem:s14], [sflag:$0x2], $0x8, s24, s17, $0xb8;
	[tilespmem:$0x8000] =	vst v63  }
0x2b: {  	s24 =	smov.u32 s23;
	p0 =	sne.s32 s23, $0x9E00  }
.Ltmp0:
0x2c: {  	s23 =	sadd.s32 $0x200, s23;
	(pc) =	sbr.rel @p0 .LBB2_2-.Ltmp0, $4  }
0x2d: {  	_ = 	snop  }
0x2e: {  	s24 =	sshra.s32 s24, $0x2  }
0x2f: {  	[spmem:s2] =	stream.indirect.scatter.add.f32 [tilespmem:s12], [sflag:$0x1], $0x8, s24, s17, $0xb8;
	[tilespmem:$0x8000] =	vst v63  }
0x30: {  	s24 =	sadd.s32 $0x2800, s24  }
0x31: {  	[spmem:s2] =	stream.indirect.scatter.add.f32 [tilespmem:s14], [sflag:$0x2], $0x8, s24, s17, $0xb8;
	[tilespmem:$0x8000] =	vst v63  }
0x32: {  	_ =	swait.ge [sflag:s18], $0x400  }
0x33: {  	[sflag:s18] =	ssyncset.done $0x0  }
0x34: {  	[sflag:s18] =	ssyncadd.s32 $0xFFFFFC00  }
0x35: {  	_ =	swait.ge [sflag:s19], $0x400  }
0x36: {  	s23 =	simm.s32 $0x4F;
	[sflag:s19] =	ssyncset.done $0x0  }
.LBB2_4:
0x37: {  	p0 =	sne.s32 s23, $0x1;
	s23 =	sadd.s32 $0xFFFFFFFF, s23;
	[sflag:s19] =	ssyncadd.s32 $0xFFFFFC00  }
.Ltmp1:
0x38: {  	_ =	swait.ge [sflag:s18], $0x400;
	(pc) =	sbr.rel @p0 .LBB2_4-.Ltmp1, $4  }
0x39: {  	[sflag:s18] =	ssyncset.done $0x0  }
0x3a: {  	[sflag:s18] =	ssyncadd.s32 $0xFFFFFC00  }
0x3b: {  	_ =	swait.ge [sflag:s19], $0x400  }
0x3c: {  	[sflag:s19] =	ssyncset.done $0x0  }
0x3d: {  	s22 =	sadd.s32 $0x1, s22  }
0x3e: {  	[sflag:s19] =	ssyncadd.s32 $0xFFFFFC00;
	p0 =	sne.s32 s22, s11  }
.Ltmp2:
0x3f: {  	[bflag:$0x0] =	sbarrier.arrive $0xFFFF;
	(pc) =	sbr.rel @p0 .LBB2_1-.Ltmp2, $4  }
0x40: {  	[hbm:s10], [sflag:s20] =	dma.local [spmem:s21], $0x280  }
0x41: {  	_ =	swait.ge [sflag:s13], $0x280  }
0x42: {  	[sflag:s13] =	ssyncset.done $0x0  }
0x43: {  	[sflag:s13] =	ssyncadd.s32 $0xFFFFFD80  }
0x44: {  	_ =	sfence.sel $0x180000  }
0x45: {  	[bflag:$0x0] =	sbarrier.arrive $0xFFFF  }
0x46: {  	p0 =	sne.s32 s0, $0x0;
	_ =	strace $0x90000047  }
0x47: {  	s0 =	sadd.s32 @!p0 $0x100000, s1;
	[bflag:$0x2] =	sbarrier.arrive $0xFFFF  }
0x48: {  	[sflag:s0] =	ssyncadd.tile.s32 @!p0 $0x1;
	_ =	shalt  }
.Lfunc_end2:
_tile_overlayer_lowered:
.L_overlay_start_2:
0x49: {  	(tag) =	ssettag $0x2  }
0x4a: {  	s0 =	rddreg [dreg:$0x0];
	s2 =	stileid.u32  }
0x4b: {  	s1 =	rddreg [dreg:$0x1];
	p0 =	sne.s32 s2, $0x0  }
0x4c: {  	s3 =	rddreg [dreg:$0x2];
	[bflag:$0x3] =	sbarrier.arrive $0xFFFF;
	s2 =	simm.s32 @!p0 $0x1C03  }
0x4d: {  	[timem:s3], [sflag:s2] =	dma.local @!p0 [hbm:s0], s1  }
0x4e: {  	s0 =	simm.s32 @!p0 $0x3  }
0x4f: {  	_ =	swait.ge @!p0 [sflag:s0], s1  }
0x50: {  	s1 =	ssub.s32 @!p0 $0x0, s1;
	[sflag:s0] =	ssyncset.done @!p0 $0x0  }
0x51: {  	[sflag:s0] =	ssyncadd.s32 @!p0 s1  }
0x52: {  	[bflag:$0x3] =	sbarrier.arrive $0xFFFF  }
0x53: {  	_ =	shalt  }

</sc_bundles>
